<compile_context>
chip_gen: v7x
topology: tpu7x:2x2x1
jax: 0.10.2.dev20260603
libtpu: 0.0.44.dev20260713+nightly
codegen_flags: <defaults>
</compile_context>

<pallas_src>
import jax
import jax.numpy as jnp
from jax import lax
from jax.experimental import pallas as pl
from jax.experimental.pallas import tpu as pltpu
from jax.experimental.pallas import tpu_sc as plsc

N = 10000
E = 320000
D = 128
NC = 2
E2 = E // NC
NT = 16
CHUNK = 128
CPT = 80
SEG = 40
EPT = CPT * CHUNK
E_PAD = NT * EPT
R = 10240
RPT = R // NT
RB = 128
TRASH = R - N

_f32 = jnp.float32


def _sc_spmm(src, rows, cols):
    mesh = plsc.VectorSubcoreMesh(core_axis_name="c", subcore_axis_name="s")
    out = jax.ShapeDtypeStruct((NC, N, D), _f32)

    def body(src_hbm, rows_hbm, cols_hbm, out_hbm,
             row_v, col_v, gb0, gb1, acc,
             gs0, gs1, ss0, ss1):
        c = lax.axis_index("c")
        t = lax.axis_index("s")
        gbufs = (gb0, gb1)
        gsems = (gs0, gs1)
        ssems = (ss0, ss1)

        @pl.loop(0, RB)
        def _zr(i):
            @pl.loop(0, D, step=16)
            def _zc(k):
                gb0[i, pl.ds(k, 16)] = jnp.zeros((16,), _f32)

        base = t * RPT
        for r in range(RPT // RB):
            pltpu.sync_copy(gb0, acc.at[pl.ds(base + r * RB, RB)])

        plsc.subcore_barrier()

        @pl.loop(0, CPT, step=SEG)
        def _(s0):
            pltpu.sync_copy(rows_hbm.at[c, t, pl.ds(s0, SEG)], row_v)
            pltpu.sync_copy(cols_hbm.at[c, t, pl.ds(s0, SEG)], col_v)

            for b in range(2):
                pltpu.async_copy(
                    src_hbm.at[col_v.at[b]], gbufs[b], gsems[b])

            @pl.loop(0, SEG, step=2)
            def _(j0):
                for u in range(2):
                    j = j0 + u
                    pltpu.make_async_copy(
                        src_hbm.at[col_v.at[j]], gbufs[u], gsems[u]).wait()
                    pltpu.async_copy(
                        gbufs[u], acc.at[row_v.at[j]], ssems[u], add=True)
                    pltpu.make_async_copy(
                        gbufs[u], acc.at[row_v.at[j]], ssems[u]).wait()

                    @pl.when(j + 2 < SEG)
                    def _():
                        pltpu.async_copy(
                            src_hbm.at[col_v.at[j + 2]], gbufs[u], gsems[u])

        plsc.subcore_barrier()

        nfull = N // RPT
        ntail = N - nfull * RPT

        @pl.when(t < nfull)
        def _():
            pltpu.sync_copy(
                acc.at[pl.ds(base, RPT)], out_hbm.at[c, pl.ds(base, RPT)])

        @pl.when(t == nfull)
        def _():
            pltpu.sync_copy(
                acc.at[pl.ds(base, ntail)],
                out_hbm.at[c, pl.ds(base, ntail)])

    scratch = [
        pltpu.VMEM((SEG, CHUNK), jnp.int32),
        pltpu.VMEM((SEG, CHUNK), jnp.int32),
        pltpu.VMEM((CHUNK, D), _f32),
        pltpu.VMEM((CHUNK, D), _f32),
        pltpu.VMEM_SHARED((R, D), _f32),
    ] + [pltpu.SemaphoreType.DMA] * 4

    k = pl.kernel(body, out_type=out, mesh=mesh, scratch_types=scratch)
    return k(src, rows, cols)


BLK = 1000


def _tc_add(p):

    def body(p_ref, o_ref):
        o_ref[...] = p_ref[0] + p_ref[1]

    return pl.pallas_call(
        body,
        grid=(N // BLK,),
        in_specs=[pl.BlockSpec((NC, BLK, D), lambda i: (0, i, 0))],
        out_specs=pl.BlockSpec((BLK, D), lambda i: (i, 0)),
        out_shape=jax.ShapeDtypeStruct((N, D), _f32),
    )(p)


def _tc_one_linear(h, wt, b):

    def body(h_ref, w_ref, b_ref, o_ref):
        o_ref[...] = (
            jnp.dot(h_ref[...], w_ref[...], preferred_element_type=_f32)
            + b_ref[...])

    return pl.pallas_call(
        body,
        grid=(N // BLK,),
        in_specs=[pl.BlockSpec((BLK, D), lambda i: (i, 0)),
                  pl.BlockSpec((D, D), lambda i: (0, 0)),
                  pl.BlockSpec((1, D), lambda i: (0, 0))],
        out_specs=pl.BlockSpec((BLK, D), lambda i: (i, 0)),
        out_shape=jax.ShapeDtypeStruct((N, D), _f32),
    )(h, wt, b)


def _tc_lin2(p2, wt, b):

    def body(p_ref, w_ref, b_ref, o_ref):
        o_ref[...] = (
            jnp.dot(p_ref[0] + p_ref[1], w_ref[...],
                    preferred_element_type=_f32)
            + b_ref[...])

    return pl.pallas_call(
        body,
        grid=(N // BLK,),
        in_specs=[pl.BlockSpec((NC, BLK, D), lambda i: (0, i, 0)),
                  pl.BlockSpec((D, D), lambda i: (0, 0)),
                  pl.BlockSpec((1, D), lambda i: (0, 0))],
        out_specs=pl.BlockSpec((BLK, D), lambda i: (i, 0)),
        out_shape=jax.ShapeDtypeStruct((N, D), _f32),
    )(p2, wt, b)


def kernel(x, edge_index, W0, b0, W1, b1, W2, b2):
    row = edge_index[0]
    col = edge_index[1]
    pad = E_PAD - E2
    pidx = jnp.arange(pad, dtype=jnp.int32)
    ptrash = N + (pidx % TRASH)
    pcol = pidx % N

    rows_c = []
    cols_c = []
    for c in range(NC):
        sl = slice(c * E2, (c + 1) * E2)
        rows_c.append(jnp.concatenate([row[sl], ptrash]))
        cols_c.append(jnp.concatenate([col[sl], pcol]))
    rows = jnp.stack(rows_c).reshape(NC, NT, CPT, CHUNK)
    cols = jnp.stack(cols_c).reshape(NC, NT, CPT, CHUNK)

    y0 = _tc_one_linear(x, W0.T, b0.reshape(1, D))
    p1 = _sc_spmm(x, rows, cols)
    h1 = _tc_add(p1)
    y1 = _tc_one_linear(h1, W1.T, b1.reshape(1, D))
    p2 = _sc_spmm(h1, rows, cols)
    y2 = _tc_lin2(p2, W2.T, b2.reshape(1, D))
    return jnp.concatenate([y0, y1, y2], axis=1)

# --- scband reference (transcript-rebuilt; emitter-appended) ---
"""Pipeline reference for scband-mix-hop-layer-10282151707665 (READ-ONLY COPY).

The authoritative reference and input builder live on the scoring server;
editing this copy changes nothing except your own understanding.
"""

import jax, jax.numpy as jnp
import numpy as np

N = 10000
E = 320000
D = 128
ADJ_POWS = [0, 1, 2]
DIMS = [128, 128, 128]


def setup_inputs(seed: int = 0) -> dict:
    key = jax.random.key(seed)
    ks = jax.random.split(key, 2 + 2 * len(DIMS))
    x = jax.random.normal(ks[0], (N, D), dtype=jnp.float32)
    edge_index = jax.random.randint(ks[1], (2, E), 0, N, dtype=jnp.int32)
    inp = {"x": x, "edge_index": edge_index}
    # Linear params: weight [dim, num_features], bias [dim] (torch nn.Linear layout)
    bound = 1.0 / np.sqrt(D)
    for i, dim in enumerate(DIMS):
        inp[f"W{i}"] = jax.random.uniform(ks[2 + 2 * i], (dim, D), minval=-bound, maxval=bound, dtype=jnp.float32)
        inp[f"b{i}"] = jax.random.uniform(ks[3 + 2 * i], (dim,), minval=-bound, maxval=bound, dtype=jnp.float32)
    return inp


def _adj_pow_x(x, edge_index, p):
    # adj = sparse_coo(edge_index, ones, (N, N)); spmm(adj, x)[i] = sum_{(i,j) in E} x[j]
    row = edge_index[0]
    col = edge_index[1]
    h = x
    for _ in range(p):
        h = jnp.zeros_like(h).at[row].add(h[col])
    return h


def reference(x, edge_index, W0, b0, W1, b1, W2, b2):
    params = [(W0, b0), (W1, b1), (W2, b2)]
    output_list = []
    for p, (W, b) in zip(ADJ_POWS, params):
        h = _adj_pow_x(x, edge_index, p)
        output_list.append(h @ W.T + b)
    return jnp.concatenate(output_list, axis=1)

if __name__ == "__main__":
    import jax
    _d = setup_inputs()
    print(jax.jit(kernel)(*tuple(_d.values())))

</pallas_src>

<mosaic_0001>
#map = affine_map<(d0, d1) -> (0, 0)>
#map1 = affine_map<(d0, d1) -> (0, 0, 0, 0)>
#map2 = affine_map<(d0, d1) -> (0, 0, 0)>
module attributes {stable_mosaic.version = 14 : i64} {
  func.func @body(%arg0: i32, %arg1: i32, %arg2: memref<10000x128xf32, #tpu.memory_space<hbm>>, %arg3: memref<2x16x80x128xi32, #tpu.memory_space<hbm>>, %arg4: memref<2x16x80x128xi32, #tpu.memory_space<hbm>>, %arg5: memref<2x10000x128xf32, #tpu.memory_space<hbm>>, %arg6: memref<40x128xi32, #tpu.memory_space<vmem>>, %arg7: memref<40x128xi32, #tpu.memory_space<vmem>>, %arg8: memref<128x128xf32, #tpu.memory_space<vmem>>, %arg9: memref<128x128xf32, #tpu.memory_space<vmem>>, %arg10: memref<10240x128xf32, #tpu.memory_space<vmem_shared>>, %arg11: memref<!tpu.dma_semaphore, #tpu.memory_space<semaphore_mem>>, %arg12: memref<!tpu.dma_semaphore, #tpu.memory_space<semaphore_mem>>, %arg13: memref<!tpu.dma_semaphore, #tpu.memory_space<semaphore_mem>>, %arg14: memref<!tpu.dma_semaphore, #tpu.memory_space<semaphore_mem>>) attributes {dimension_semantics = [#tpu.dimension_semantics<core_parallel>, #tpu.dimension_semantics<subcore_parallel>], iteration_bounds = array<i64: 2, 16>, scalar_prefetch = 0 : i64, scratch_operands = 9 : i64, tpu.core_type = #tpu.core_type<sc_vector_subcore>, window_params = [{transform_indices = #map}, {transform_indices = #map1}, {transform_indices = #map1}, {transform_indices = #map2}]} {
    %scan3A = arith.constant 0 : i32
    %scan3A_0 = arith.constant 128 : i32
    %scan3A_1 = arith.addi %scan3A, %scan3A_0 : i32
    %scan3A_2 = arith.constant 1 : i32
    scf.for %scan3A_26 = %scan3A to %scan3A_1 step %scan3A_2  : i32 {
      %mul3A_27 = arith.constant 1 : i32
      %mul3A_28 = arith.muli %scan3A_26, %mul3A_27 : i32
      %add3A_29 = arith.constant 0 : i32
      %add3A_30 = arith.addi %add3A_29, %mul3A_28 : i32
      %scan3A_31 = arith.constant 0 : i32
      %scan3A_32 = arith.constant 8 : i32
      %scan3A_33 = arith.addi %scan3A_31, %scan3A_32 : i32
      %scan3A_34 = arith.constant 1 : i32
      scf.for %scan3A_36 = %scan3A_31 to %scan3A_33 step %scan3A_34  : i32 {
        %mul3A_37 = arith.constant 16 : i32
        %mul3A_38 = arith.muli %scan3A_36, %mul3A_37 : i32
        %add3A_39 = arith.constant 0 : i32
        %add3A_40 = arith.addi %add3A_39, %mul3A_38 : i32
        %broadcast_in_dim3A = arith.constant 0.000000e+00 : f32
        %broadcast_in_dim3A_41 = vector.broadcast %broadcast_in_dim3A : f32 to vector<16xf32>
        %swap3A = arith.index_cast %add3A_30 : i32 to index
        %swap3A_42 = arith.index_cast %add3A_40 : i32 to index
        %swap3A_43 = tpu.vector_load %arg8[%swap3A, %swap3A_42] {strides = array<i32>} : memref<128x128xf32, #tpu.memory_space<vmem>>, vector<1x16xf32>,
        %swap3A_44 = vector.shape_cast %swap3A_43 : vector<1x16xf32> to vector<16xf32>
        %swap3A_45 = vector.shape_cast %broadcast_in_dim3A_41 : vector<16xf32> to vector<1x16xf32>
        tpu.vector_store %arg8[%swap3A, %swap3A_42], %swap3A_45 {strides = array<i32>} : memref<128x128xf32, #tpu.memory_space<vmem>>, vector<1x16xf32>,
      }
      %scan3A_35 = arith.constant 8 : i32
    }
    %scan3A_3 = arith.constant 128 : i32
    %mul3A = arith.constant 640 : i32
    %mul3A_4 = arith.muli %arg1, %mul3A : i32
    %add3A = arith.constant 0 : i32
    %add3A_5 = arith.addi %mul3A_4, %add3A : i32
    "tpu.region"() ({
      %run_scoped3A = tpu.sem_alloc : memref<!tpu.dma_semaphore, #tpu.memory_space<semaphore_mem>>
      %dma_start3A = arith.constant 0 : i32
      %dma_start3A_26 = tpu.memref_slice %arg10[%add3A_5, %dma_start3A] : memref<10240x128xf32, #tpu.memory_space<vmem_shared>> -> memref<128x128xf32, #tpu.memory_space<vmem_shared>>
      %dma_start3A_27 = arith.constant 0 : i32
      %dma_start3A_28 = tpu.memref_slice %arg10[%add3A_5, %dma_start3A_27] : memref<10240x128xf32, #tpu.memory_space<vmem_shared>> -> memref<128x128xf32, #tpu.memory_space<vmem_shared>>
      tpu.enqueue_dma source(%arg8 : memref<128x128xf32, #tpu.memory_space<vmem>>) target(%dma_start3A_28 : memref<128x128xf32, #tpu.memory_space<vmem_shared>>) target_semaphore(%run_scoped3A : memref<!tpu.dma_semaphore, #tpu.memory_space<semaphore_mem>>)
      %dma_wait3A = arith.constant 0 : i32
      %dma_wait3A_29 = tpu.memref_slice %arg10[%add3A_5, %dma_wait3A] : memref<10240x128xf32, #tpu.memory_space<vmem_shared>> -> memref<128x128xf32, #tpu.memory_space<vmem_shared>>
      %dma_wait3A_30 = arith.constant 0 : i32
      %dma_wait3A_31 = tpu.memref_slice %arg10[%add3A_5, %dma_wait3A_30] : memref<10240x128xf32, #tpu.memory_space<vmem_shared>> -> memref<128x128xf32, #tpu.memory_space<vmem_shared>>
      tpu.wait_dma2 semaphore(%run_scoped3A : memref<!tpu.dma_semaphore, #tpu.memory_space<semaphore_mem>>) src(%arg8 : memref<128x128xf32, #tpu.memory_space<vmem>>) dst(%dma_wait3A_31 : memref<128x128xf32, #tpu.memory_space<vmem_shared>>)
      tpu.yield
    }) : () -> ()
    %add3A_6 = arith.constant 128 : i32
    %add3A_7 = arith.addi %mul3A_4, %add3A_6 : i32
    "tpu.region"() ({
      %run_scoped3A = tpu.sem_alloc : memref<!tpu.dma_semaphore, #tpu.memory_space<semaphore_mem>>
      %dma_start3A = arith.constant 0 : i32
      %dma_start3A_26 = tpu.memref_slice %arg10[%add3A_7, %dma_start3A] : memref<10240x128xf32, #tpu.memory_space<vmem_shared>> -> memref<128x128xf32, #tpu.memory_space<vmem_shared>>
      %dma_start3A_27 = arith.constant 0 : i32
      %dma_start3A_28 = tpu.memref_slice %arg10[%add3A_7, %dma_start3A_27] : memref<10240x128xf32, #tpu.memory_space<vmem_shared>> -> memref<128x128xf32, #tpu.memory_space<vmem_shared>>
      tpu.enqueue_dma source(%arg8 : memref<128x128xf32, #tpu.memory_space<vmem>>) target(%dma_start3A_28 : memref<128x128xf32, #tpu.memory_space<vmem_shared>>) target_semaphore(%run_scoped3A : memref<!tpu.dma_semaphore, #tpu.memory_space<semaphore_mem>>)
      %dma_wait3A = arith.constant 0 : i32
      %dma_wait3A_29 = tpu.memref_slice %arg10[%add3A_7, %dma_wait3A] : memref<10240x128xf32, #tpu.memory_space<vmem_shared>> -> memref<128x128xf32, #tpu.memory_space<vmem_shared>>
      %dma_wait3A_30 = arith.constant 0 : i32
      %dma_wait3A_31 = tpu.memref_slice %arg10[%add3A_7, %dma_wait3A_30] : memref<10240x128xf32, #tpu.memory_space<vmem_shared>> -> memref<128x128xf32, #tpu.memory_space<vmem_shared>>
      tpu.wait_dma2 semaphore(%run_scoped3A : memref<!tpu.dma_semaphore, #tpu.memory_space<semaphore_mem>>) src(%arg8 : memref<128x128xf32, #tpu.memory_space<vmem>>) dst(%dma_wait3A_31 : memref<128x128xf32, #tpu.memory_space<vmem_shared>>)
      tpu.yield
    }) : () -> ()
    %add3A_8 = arith.constant 256 : i32
    %add3A_9 = arith.addi %mul3A_4, %add3A_8 : i32
    "tpu.region"() ({
      %run_scoped3A = tpu.sem_alloc : memref<!tpu.dma_semaphore, #tpu.memory_space<semaphore_mem>>
      %dma_start3A = arith.constant 0 : i32
      %dma_start3A_26 = tpu.memref_slice %arg10[%add3A_9, %dma_start3A] : memref<10240x128xf32, #tpu.memory_space<vmem_shared>> -> memref<128x128xf32, #tpu.memory_space<vmem_shared>>
      %dma_start3A_27 = arith.constant 0 : i32
      %dma_start3A_28 = tpu.memref_slice %arg10[%add3A_9, %dma_start3A_27] : memref<10240x128xf32, #tpu.memory_space<vmem_shared>> -> memref<128x128xf32, #tpu.memory_space<vmem_shared>>
      tpu.enqueue_dma source(%arg8 : memref<128x128xf32, #tpu.memory_space<vmem>>) target(%dma_start3A_28 : memref<128x128xf32, #tpu.memory_space<vmem_shared>>) target_semaphore(%run_scoped3A : memref<!tpu.dma_semaphore, #tpu.memory_space<semaphore_mem>>)
      %dma_wait3A = arith.constant 0 : i32
      %dma_wait3A_29 = tpu.memref_slice %arg10[%add3A_9, %dma_wait3A] : memref<10240x128xf32, #tpu.memory_space<vmem_shared>> -> memref<128x128xf32, #tpu.memory_space<vmem_shared>>
      %dma_wait3A_30 = arith.constant 0 : i32
      %dma_wait3A_31 = tpu.memref_slice %arg10[%add3A_9, %dma_wait3A_30] : memref<10240x128xf32, #tpu.memory_space<vmem_shared>> -> memref<128x128xf32, #tpu.memory_space<vmem_shared>>
      tpu.wait_dma2 semaphore(%run_scoped3A : memref<!tpu.dma_semaphore, #tpu.memory_space<semaphore_mem>>) src(%arg8 : memref<128x128xf32, #tpu.memory_space<vmem>>) dst(%dma_wait3A_31 : memref<128x128xf32, #tpu.memory_space<vmem_shared>>)
      tpu.yield
    }) : () -> ()
    %add3A_10 = arith.constant 384 : i32
    %add3A_11 = arith.addi %mul3A_4, %add3A_10 : i32
    "tpu.region"() ({
      %run_scoped3A = tpu.sem_alloc : memref<!tpu.dma_semaphore, #tpu.memory_space<semaphore_mem>>
      %dma_start3A = arith.constant 0 : i32
      %dma_start3A_26 = tpu.memref_slice %arg10[%add3A_11, %dma_start3A] : memref<10240x128xf32, #tpu.memory_space<vmem_shared>> -> memref<128x128xf32, #tpu.memory_space<vmem_shared>>
      %dma_start3A_27 = arith.constant 0 : i32
      %dma_start3A_28 = tpu.memref_slice %arg10[%add3A_11, %dma_start3A_27] : memref<10240x128xf32, #tpu.memory_space<vmem_shared>> -> memref<128x128xf32, #tpu.memory_space<vmem_shared>>
      tpu.enqueue_dma source(%arg8 : memref<128x128xf32, #tpu.memory_space<vmem>>) target(%dma_start3A_28 : memref<128x128xf32, #tpu.memory_space<vmem_shared>>) target_semaphore(%run_scoped3A : memref<!tpu.dma_semaphore, #tpu.memory_space<semaphore_mem>>)
      %dma_wait3A = arith.constant 0 : i32
      %dma_wait3A_29 = tpu.memref_slice %arg10[%add3A_11, %dma_wait3A] : memref<10240x128xf32, #tpu.memory_space<vmem_shared>> -> memref<128x128xf32, #tpu.memory_space<vmem_shared>>
      %dma_wait3A_30 = arith.constant 0 : i32
      %dma_wait3A_31 = tpu.memref_slice %arg10[%add3A_11, %dma_wait3A_30] : memref<10240x128xf32, #tpu.memory_space<vmem_shared>> -> memref<128x128xf32, #tpu.memory_space<vmem_shared>>
      tpu.wait_dma2 semaphore(%run_scoped3A : memref<!tpu.dma_semaphore, #tpu.memory_space<semaphore_mem>>) src(%arg8 : memref<128x128xf32, #tpu.memory_space<vmem>>) dst(%dma_wait3A_31 : memref<128x128xf32, #tpu.memory_space<vmem_shared>>)
      tpu.yield
    }) : () -> ()
    %add3A_12 = arith.constant 512 : i32
    %add3A_13 = arith.addi %mul3A_4, %add3A_12 : i32
    "tpu.region"() ({
      %run_scoped3A = tpu.sem_alloc : memref<!tpu.dma_semaphore, #tpu.memory_space<semaphore_mem>>
      %dma_start3A = arith.constant 0 : i32
      %dma_start3A_26 = tpu.memref_slice %arg10[%add3A_13, %dma_start3A] : memref<10240x128xf32, #tpu.memory_space<vmem_shared>> -> memref<128x128xf32, #tpu.memory_space<vmem_shared>>
      %dma_start3A_27 = arith.constant 0 : i32
      %dma_start3A_28 = tpu.memref_slice %arg10[%add3A_13, %dma_start3A_27] : memref<10240x128xf32, #tpu.memory_space<vmem_shared>> -> memref<128x128xf32, #tpu.memory_space<vmem_shared>>
      tpu.enqueue_dma source(%arg8 : memref<128x128xf32, #tpu.memory_space<vmem>>) target(%dma_start3A_28 : memref<128x128xf32, #tpu.memory_space<vmem_shared>>) target_semaphore(%run_scoped3A : memref<!tpu.dma_semaphore, #tpu.memory_space<semaphore_mem>>)
      %dma_wait3A = arith.constant 0 : i32
      %dma_wait3A_29 = tpu.memref_slice %arg10[%add3A_13, %dma_wait3A] : memref<10240x128xf32, #tpu.memory_space<vmem_shared>> -> memref<128x128xf32, #tpu.memory_space<vmem_shared>>
      %dma_wait3A_30 = arith.constant 0 : i32
      %dma_wait3A_31 = tpu.memref_slice %arg10[%add3A_13, %dma_wait3A_30] : memref<10240x128xf32, #tpu.memory_space<vmem_shared>> -> memref<128x128xf32, #tpu.memory_space<vmem_shared>>
      tpu.wait_dma2 semaphore(%run_scoped3A : memref<!tpu.dma_semaphore, #tpu.memory_space<semaphore_mem>>) src(%arg8 : memref<128x128xf32, #tpu.memory_space<vmem>>) dst(%dma_wait3A_31 : memref<128x128xf32, #tpu.memory_space<vmem_shared>>)
      tpu.yield
    }) : () -> ()
    %barrier3A = arith.constant 0 : index
    tpu.barrier barrier_id(%barrier3A)
    %scan3A_14 = arith.constant 0 : i32
    %scan3A_15 = arith.constant 2 : i32
    %scan3A_16 = arith.addi %scan3A_14, %scan3A_15 : i32
    %scan3A_17 = arith.constant 1 : i32
    scf.for %scan3A_26 = %scan3A_14 to %scan3A_16 step %scan3A_17  : i32 {
      %mul3A_27 = arith.constant 40 : i32
      %mul3A_28 = arith.muli %scan3A_26, %mul3A_27 : i32
      %add3A_29 = arith.constant 0 : i32
      %add3A_30 = arith.addi %add3A_29, %mul3A_28 : i32
      "tpu.region"() ({
        %run_scoped3A = tpu.sem_alloc : memref<!tpu.dma_semaphore, #tpu.memory_space<semaphore_mem>>
        %dma_start3A_49 = arith.constant 0 : i32
        %dma_start3A_50 = tpu.memref_slice %arg3[%arg0, %arg1, %add3A_30, %dma_start3A_49] : memref<2x16x80x128xi32, #tpu.memory_space<hbm>> -> memref<1x1x40x128xi32, #tpu.memory_space<hbm>>
        %dma_start3A_51 = tpu.memref_squeeze %dma_start3A_50 : memref<1x1x40x128xi32, #tpu.memory_space<hbm>> -> memref<40x128xi32, #tpu.memory_space<hbm>>
        %dma_start3A_52 = arith.constant 0 : i32
        %dma_start3A_53 = tpu.memref_slice %arg3[%arg0, %arg1, %add3A_30, %dma_start3A_52] : memref<2x16x80x128xi32, #tpu.memory_space<hbm>> -> memref<1x1x40x128xi32, #tpu.memory_space<hbm>>
        %dma_start3A_54 = tpu.memref_squeeze %dma_start3A_53 : memref<1x1x40x128xi32, #tpu.memory_space<hbm>> -> memref<40x128xi32, #tpu.memory_space<hbm>>
        tpu.enqueue_dma source(%dma_start3A_54 : memref<40x128xi32, #tpu.memory_space<hbm>>) target(%arg6 : memref<40x128xi32, #tpu.memory_space<vmem>>) target_semaphore(%run_scoped3A : memref<!tpu.dma_semaphore, #tpu.memory_space<semaphore_mem>>)
        %dma_wait3A = arith.constant 0 : i32
        %dma_wait3A_55 = tpu.memref_slice %arg3[%arg0, %arg1, %add3A_30, %dma_wait3A] : memref<2x16x80x128xi32, #tpu.memory_space<hbm>> -> memref<1x1x40x128xi32, #tpu.memory_space<hbm>>
        %dma_wait3A_56 = tpu.memref_squeeze %dma_wait3A_55 : memref<1x1x40x128xi32, #tpu.memory_space<hbm>> -> memref<40x128xi32, #tpu.memory_space<hbm>>
        %dma_wait3A_57 = arith.constant 0 : i32
        %dma_wait3A_58 = tpu.memref_slice %arg3[%arg0, %arg1, %add3A_30, %dma_wait3A_57] : memref<2x16x80x128xi32, #tpu.memory_space<hbm>> -> memref<1x1x40x128xi32, #tpu.memory_space<hbm>>
        %dma_wait3A_59 = tpu.memref_squeeze %dma_wait3A_58 : memref<1x1x40x128xi32, #tpu.memory_space<hbm>> -> memref<40x128xi32, #tpu.memory_space<hbm>>
        tpu.wait_dma2 semaphore(%run_scoped3A : memref<!tpu.dma_semaphore, #tpu.memory_space<semaphore_mem>>) src(%dma_wait3A_59 : memref<40x128xi32, #tpu.memory_space<hbm>>) dst(%arg6 : memref<40x128xi32, #tpu.memory_space<vmem>>)
        tpu.yield
      }) : () -> ()
      "tpu.region"() ({
        %run_scoped3A = tpu.sem_alloc : memref<!tpu.dma_semaphore, #tpu.memory_space<semaphore_mem>>
        %dma_start3A_49 = arith.constant 0 : i32
        %dma_start3A_50 = tpu.memref_slice %arg4[%arg0, %arg1, %add3A_30, %dma_start3A_49] : memref<2x16x80x128xi32, #tpu.memory_space<hbm>> -> memref<1x1x40x128xi32, #tpu.memory_space<hbm>>
        %dma_start3A_51 = tpu.memref_squeeze %dma_start3A_50 : memref<1x1x40x128xi32, #tpu.memory_space<hbm>> -> memref<40x128xi32, #tpu.memory_space<hbm>>
        %dma_start3A_52 = arith.constant 0 : i32
        %dma_start3A_53 = tpu.memref_slice %arg4[%arg0, %arg1, %add3A_30, %dma_start3A_52] : memref<2x16x80x128xi32, #tpu.memory_space<hbm>> -> memref<1x1x40x128xi32, #tpu.memory_space<hbm>>
        %dma_start3A_54 = tpu.memref_squeeze %dma_start3A_53 : memref<1x1x40x128xi32, #tpu.memory_space<hbm>> -> memref<40x128xi32, #tpu.memory_space<hbm>>
        tpu.enqueue_dma source(%dma_start3A_54 : memref<40x128xi32, #tpu.memory_space<hbm>>) target(%arg7 : memref<40x128xi32, #tpu.memory_space<vmem>>) target_semaphore(%run_scoped3A : memref<!tpu.dma_semaphore, #tpu.memory_space<semaphore_mem>>)
        %dma_wait3A = arith.constant 0 : i32
        %dma_wait3A_55 = tpu.memref_slice %arg4[%arg0, %arg1, %add3A_30, %dma_wait3A] : memref<2x16x80x128xi32, #tpu.memory_space<hbm>> -> memref<1x1x40x128xi32, #tpu.memory_space<hbm>>
        %dma_wait3A_56 = tpu.memref_squeeze %dma_wait3A_55 : memref<1x1x40x128xi32, #tpu.memory_space<hbm>> -> memref<40x128xi32, #tpu.memory_space<hbm>>
        %dma_wait3A_57 = arith.constant 0 : i32
        %dma_wait3A_58 = tpu.memref_slice %arg4[%arg0, %arg1, %add3A_30, %dma_wait3A_57] : memref<2x16x80x128xi32, #tpu.memory_space<hbm>> -> memref<1x1x40x128xi32, #tpu.memory_space<hbm>>
        %dma_wait3A_59 = tpu.memref_squeeze %dma_wait3A_58 : memref<1x1x40x128xi32, #tpu.memory_space<hbm>> -> memref<40x128xi32, #tpu.memory_space<hbm>>
        tpu.wait_dma2 semaphore(%run_scoped3A : memref<!tpu.dma_semaphore, #tpu.memory_space<semaphore_mem>>) src(%dma_wait3A_59 : memref<40x128xi32, #tpu.memory_space<hbm>>) dst(%arg7 : memref<40x128xi32, #tpu.memory_space<vmem>>)
        tpu.yield
      }) : () -> ()
      %dma_start3A = arith.constant 0 : i32
      %dma_start3A_31 = arith.constant 0 : i32
      %dma_start3A_32 = tpu.memref_slice %arg7[%dma_start3A, %dma_start3A_31] : memref<40x128xi32, #tpu.memory_space<vmem>> -> memref<1x128xi32, #tpu.memory_space<vmem>>
      %dma_start3A_33 = tpu.memref_squeeze %dma_start3A_32 : memref<1x128xi32, #tpu.memory_space<vmem>> -> memref<128xi32, #tpu.memory_space<vmem>>
      %dma_start3A_34 = arith.constant 0 : i32
      %dma_start3A_35 = arith.constant 0 : i32
      %dma_start3A_36 = tpu.memref_slice %arg2[%dma_start3A_34, %dma_start3A_35] : memref<10000x128xf32, #tpu.memory_space<hbm>> -> memref<10000x128xf32, #tpu.memory_space<hbm>>
      tpu.enqueue_indirect_dma source(%dma_start3A_36 : memref<10000x128xf32, #tpu.memory_space<hbm>>) target(%arg8 : memref<128x128xf32, #tpu.memory_space<vmem>>) offsets(%dma_start3A_33 : memref<128xi32, #tpu.memory_space<vmem>>) semaphore(%arg11 : memref<!tpu.dma_semaphore, #tpu.memory_space<semaphore_mem>>)
      %dma_start3A_37 = arith.constant 1 : i32
      %dma_start3A_38 = arith.constant 0 : i32
      %dma_start3A_39 = tpu.memref_slice %arg7[%dma_start3A_37, %dma_start3A_38] : memref<40x128xi32, #tpu.memory_space<vmem>> -> memref<1x128xi32, #tpu.memory_space<vmem>>
      %dma_start3A_40 = tpu.memref_squeeze %dma_start3A_39 : memref<1x128xi32, #tpu.memory_space<vmem>> -> memref<128xi32, #tpu.memory_space<vmem>>
      %dma_start3A_41 = arith.constant 0 : i32
      %dma_start3A_42 = arith.constant 0 : i32
      %dma_start3A_43 = tpu.memref_slice %arg2[%dma_start3A_41, %dma_start3A_42] : memref<10000x128xf32, #tpu.memory_space<hbm>> -> memref<10000x128xf32, #tpu.memory_space<hbm>>
      tpu.enqueue_indirect_dma source(%dma_start3A_43 : memref<10000x128xf32, #tpu.memory_space<hbm>>) target(%arg9 : memref<128x128xf32, #tpu.memory_space<vmem>>) offsets(%dma_start3A_40 : memref<128xi32, #tpu.memory_space<vmem>>) semaphore(%arg12 : memref<!tpu.dma_semaphore, #tpu.memory_space<semaphore_mem>>)
      %scan3A_44 = arith.constant 0 : i32
      %scan3A_45 = arith.constant 20 : i32
      %scan3A_46 = arith.addi %scan3A_44, %scan3A_45 : i32
      %scan3A_47 = arith.constant 1 : i32
      scf.for %scan3A_49 = %scan3A_44 to %scan3A_46 step %scan3A_47  : i32 {
        %mul3A_50 = arith.constant 2 : i32
        %mul3A_51 = arith.muli %scan3A_49, %mul3A_50 : i32
        %add3A_52 = arith.constant 0 : i32
        %add3A_53 = arith.addi %add3A_52, %mul3A_51 : i32
        %add3A_54 = arith.constant 0 : i32
        %add3A_55 = arith.addi %add3A_53, %add3A_54 : i32
        %dma_wait3A = arith.constant 0 : i32
        %dma_wait3A_56 = tpu.memref_slice %arg7[%add3A_55, %dma_wait3A] : memref<40x128xi32, #tpu.memory_space<vmem>> -> memref<1x128xi32, #tpu.memory_space<vmem>>
        %dma_wait3A_57 = tpu.memref_squeeze %dma_wait3A_56 : memref<1x128xi32, #tpu.memory_space<vmem>> -> memref<128xi32, #tpu.memory_space<vmem>>
        %dma_wait3A_58 = arith.constant 0 : i32
        %dma_wait3A_59 = arith.constant 0 : i32
        %dma_wait3A_60 = tpu.memref_slice %arg2[%dma_wait3A_58, %dma_wait3A_59] : memref<10000x128xf32, #tpu.memory_space<hbm>> -> memref<10000x128xf32, #tpu.memory_space<hbm>>
        tpu.wait_indirect_dma semaphore(%arg11 : memref<!tpu.dma_semaphore, #tpu.memory_space<semaphore_mem>>) src(%dma_wait3A_60 : memref<10000x128xf32, #tpu.memory_space<hbm>>) dst(%arg8 : memref<128x128xf32, #tpu.memory_space<vmem>>)
        %dma_start3A_61 = arith.constant 0 : i32
        %dma_start3A_62 = tpu.memref_slice %arg6[%add3A_55, %dma_start3A_61] : memref<40x128xi32, #tpu.memory_space<vmem>> -> memref<1x128xi32, #tpu.memory_space<vmem>>
        %dma_start3A_63 = tpu.memref_squeeze %dma_start3A_62 : memref<1x128xi32, #tpu.memory_space<vmem>> -> memref<128xi32, #tpu.memory_space<vmem>>
        %dma_start3A_64 = arith.constant 0 : i32
        %dma_start3A_65 = arith.constant 0 : i32
        %dma_start3A_66 = tpu.memref_slice %arg10[%dma_start3A_64, %dma_start3A_65] : memref<10240x128xf32, #tpu.memory_space<vmem_shared>> -> memref<10240x128xf32, #tpu.memory_space<vmem_shared>>
        tpu.enqueue_indirect_dma source(%arg8 : memref<128x128xf32, #tpu.memory_space<vmem>>) target(%dma_start3A_66 : memref<10240x128xf32, #tpu.memory_space<vmem_shared>>) offsets(%dma_start3A_63 : memref<128xi32, #tpu.memory_space<vmem>>) semaphore(%arg13 : memref<!tpu.dma_semaphore, #tpu.memory_space<semaphore_mem>>) {add = true}
        %dma_wait3A_67 = arith.constant 0 : i32
        %dma_wait3A_68 = tpu.memref_slice %arg6[%add3A_55, %dma_wait3A_67] : memref<40x128xi32, #tpu.memory_space<vmem>> -> memref<1x128xi32, #tpu.memory_space<vmem>>
        %dma_wait3A_69 = tpu.memref_squeeze %dma_wait3A_68 : memref<1x128xi32, #tpu.memory_space<vmem>> -> memref<128xi32, #tpu.memory_space<vmem>>
        %dma_wait3A_70 = arith.constant 0 : i32
        %dma_wait3A_71 = arith.constant 0 : i32
        %dma_wait3A_72 = tpu.memref_slice %arg10[%dma_wait3A_70, %dma_wait3A_71] : memref<10240x128xf32, #tpu.memory_space<vmem_shared>> -> memref<10240x128xf32, #tpu.memory_space<vmem_shared>>
        tpu.wait_indirect_dma semaphore(%arg13 : memref<!tpu.dma_semaphore, #tpu.memory_space<semaphore_mem>>) src(%arg8 : memref<128x128xf32, #tpu.memory_space<vmem>>) dst(%dma_wait3A_72 : memref<10240x128xf32, #tpu.memory_space<vmem_shared>>)
        %add3A_73 = arith.constant 2 : i32
        %add3A_74 = arith.addi %add3A_55, %add3A_73 : i32
        %lt3A_75 = arith.constant 40 : i32
        %lt3A_76 = arith.cmpi slt, %add3A_74, %lt3A_75 : i32
        %convert_element_type3A_77 = arith.extui %lt3A_76 : i1 to i32
        %cond3A_78 = arith.constant 0 : i32
        %cond3A_79 = arith.cmpi ne, %convert_element_type3A_77, %cond3A_78 : i32
        scf.if %cond3A_79 {
          %add3A_107 = arith.constant 2 : i32
          %add3A_108 = arith.addi %add3A_55, %add3A_107 : i32
          %dma_start3A_109 = arith.constant 0 : i32
          %dma_start3A_110 = tpu.memref_slice %arg7[%add3A_108, %dma_start3A_109] : memref<40x128xi32, #tpu.memory_space<vmem>> -> memref<1x128xi32, #tpu.memory_space<vmem>>
          %dma_start3A_111 = tpu.memref_squeeze %dma_start3A_110 : memref<1x128xi32, #tpu.memory_space<vmem>> -> memref<128xi32, #tpu.memory_space<vmem>>
          %dma_start3A_112 = arith.constant 0 : i32
          %dma_start3A_113 = arith.constant 0 : i32
          %dma_start3A_114 = tpu.memref_slice %arg2[%dma_start3A_112, %dma_start3A_113] : memref<10000x128xf32, #tpu.memory_space<hbm>> -> memref<10000x128xf32, #tpu.memory_space<hbm>>
          tpu.enqueue_indirect_dma source(%dma_start3A_114 : memref<10000x128xf32, #tpu.memory_space<hbm>>) target(%arg8 : memref<128x128xf32, #tpu.memory_space<vmem>>) offsets(%dma_start3A_111 : memref<128xi32, #tpu.memory_space<vmem>>) semaphore(%arg11 : memref<!tpu.dma_semaphore, #tpu.memory_space<semaphore_mem>>)
        } else {
        }
        %add3A_80 = arith.constant 1 : i32
        %add3A_81 = arith.addi %add3A_53, %add3A_80 : i32
        %dma_wait3A_82 = arith.constant 0 : i32
        %dma_wait3A_83 = tpu.memref_slice %arg7[%add3A_81, %dma_wait3A_82] : memref<40x128xi32, #tpu.memory_space<vmem>> -> memref<1x128xi32, #tpu.memory_space<vmem>>
        %dma_wait3A_84 = tpu.memref_squeeze %dma_wait3A_83 : memref<1x128xi32, #tpu.memory_space<vmem>> -> memref<128xi32, #tpu.memory_space<vmem>>
        %dma_wait3A_85 = arith.constant 0 : i32
        %dma_wait3A_86 = arith.constant 0 : i32
        %dma_wait3A_87 = tpu.memref_slice %arg2[%dma_wait3A_85, %dma_wait3A_86] : memref<10000x128xf32, #tpu.memory_space<hbm>> -> memref<10000x128xf32, #tpu.memory_space<hbm>>
        tpu.wait_indirect_dma semaphore(%arg12 : memref<!tpu.dma_semaphore, #tpu.memory_space<semaphore_mem>>) src(%dma_wait3A_87 : memref<10000x128xf32, #tpu.memory_space<hbm>>) dst(%arg9 : memref<128x128xf32, #tpu.memory_space<vmem>>)
        %dma_start3A_88 = arith.constant 0 : i32
        %dma_start3A_89 = tpu.memref_slice %arg6[%add3A_81, %dma_start3A_88] : memref<40x128xi32, #tpu.memory_space<vmem>> -> memref<1x128xi32, #tpu.memory_space<vmem>>
        %dma_start3A_90 = tpu.memref_squeeze %dma_start3A_89 : memref<1x128xi32, #tpu.memory_space<vmem>> -> memref<128xi32, #tpu.memory_space<vmem>>
        %dma_start3A_91 = arith.constant 0 : i32
        %dma_start3A_92 = arith.constant 0 : i32
        %dma_start3A_93 = tpu.memref_slice %arg10[%dma_start3A_91, %dma_start3A_92] : memref<10240x128xf32, #tpu.memory_space<vmem_shared>> -> memref<10240x128xf32, #tpu.memory_space<vmem_shared>>
        tpu.enqueue_indirect_dma source(%arg9 : memref<128x128xf32, #tpu.memory_space<vmem>>) target(%dma_start3A_93 : memref<10240x128xf32, #tpu.memory_space<vmem_shared>>) offsets(%dma_start3A_90 : memref<128xi32, #tpu.memory_space<vmem>>) semaphore(%arg14 : memref<!tpu.dma_semaphore, #tpu.memory_space<semaphore_mem>>) {add = true}
        %dma_wait3A_94 = arith.constant 0 : i32
        %dma_wait3A_95 = tpu.memref_slice %arg6[%add3A_81, %dma_wait3A_94] : memref<40x128xi32, #tpu.memory_space<vmem>> -> memref<1x128xi32, #tpu.memory_space<vmem>>
        %dma_wait3A_96 = tpu.memref_squeeze %dma_wait3A_95 : memref<1x128xi32, #tpu.memory_space<vmem>> -> memref<128xi32, #tpu.memory_space<vmem>>
        %dma_wait3A_97 = arith.constant 0 : i32
        %dma_wait3A_98 = arith.constant 0 : i32
        %dma_wait3A_99 = tpu.memref_slice %arg10[%dma_wait3A_97, %dma_wait3A_98] : memref<10240x128xf32, #tpu.memory_space<vmem_shared>> -> memref<10240x128xf32, #tpu.memory_space<vmem_shared>>
        tpu.wait_indirect_dma semaphore(%arg14 : memref<!tpu.dma_semaphore, #tpu.memory_space<semaphore_mem>>) src(%arg9 : memref<128x128xf32, #tpu.memory_space<vmem>>) dst(%dma_wait3A_99 : memref<10240x128xf32, #tpu.memory_space<vmem_shared>>)
        %add3A_100 = arith.constant 2 : i32
        %add3A_101 = arith.addi %add3A_81, %add3A_100 : i32
        %lt3A_102 = arith.constant 40 : i32
        %lt3A_103 = arith.cmpi slt, %add3A_101, %lt3A_102 : i32
        %convert_element_type3A_104 = arith.extui %lt3A_103 : i1 to i32
        %cond3A_105 = arith.constant 0 : i32
        %cond3A_106 = arith.cmpi ne, %convert_element_type3A_104, %cond3A_105 : i32
        scf.if %cond3A_106 {
          %add3A_107 = arith.constant 2 : i32
          %add3A_108 = arith.addi %add3A_81, %add3A_107 : i32
          %dma_start3A_109 = arith.constant 0 : i32
          %dma_start3A_110 = tpu.memref_slice %arg7[%add3A_108, %dma_start3A_109] : memref<40x128xi32, #tpu.memory_space<vmem>> -> memref<1x128xi32, #tpu.memory_space<vmem>>
          %dma_start3A_111 = tpu.memref_squeeze %dma_start3A_110 : memref<1x128xi32, #tpu.memory_space<vmem>> -> memref<128xi32, #tpu.memory_space<vmem>>
          %dma_start3A_112 = arith.constant 0 : i32
          %dma_start3A_113 = arith.constant 0 : i32
          %dma_start3A_114 = tpu.memref_slice %arg2[%dma_start3A_112, %dma_start3A_113] : memref<10000x128xf32, #tpu.memory_space<hbm>> -> memref<10000x128xf32, #tpu.memory_space<hbm>>
          tpu.enqueue_indirect_dma source(%dma_start3A_114 : memref<10000x128xf32, #tpu.memory_space<hbm>>) target(%arg9 : memref<128x128xf32, #tpu.memory_space<vmem>>) offsets(%dma_start3A_111 : memref<128xi32, #tpu.memory_space<vmem>>) semaphore(%arg12 : memref<!tpu.dma_semaphore, #tpu.memory_space<semaphore_mem>>)
        } else {
        }
      }
      %scan3A_48 = arith.constant 20 : i32
    }
    %scan3A_18 = arith.constant 2 : i32
    %barrier3A_19 = arith.constant 0 : index
    tpu.barrier barrier_id(%barrier3A_19)
    %lt3A = arith.constant 15 : i32
    %lt3A_20 = arith.cmpi slt, %arg1, %lt3A : i32
    %convert_element_type3A = arith.extui %lt3A_20 : i1 to i32
    %cond3A = arith.constant 0 : i32
    %cond3A_21 = arith.cmpi ne, %convert_element_type3A, %cond3A : i32
    scf.if %cond3A_21 {
      "tpu.region"() ({
        %run_scoped3A = tpu.sem_alloc : memref<!tpu.dma_semaphore, #tpu.memory_space<semaphore_mem>>
        %dma_start3A = arith.constant 0 : i32
        %dma_start3A_26 = tpu.memref_slice %arg5[%arg0, %mul3A_4, %dma_start3A] : memref<2x10000x128xf32, #tpu.memory_space<hbm>> -> memref<1x640x128xf32, #tpu.memory_space<hbm>>
        %dma_start3A_27 = tpu.memref_squeeze %dma_start3A_26 : memref<1x640x128xf32, #tpu.memory_space<hbm>> -> memref<640x128xf32, #tpu.memory_space<hbm>>
        %dma_start3A_28 = arith.constant 0 : i32
        %dma_start3A_29 = tpu.memref_slice %arg10[%mul3A_4, %dma_start3A_28] : memref<10240x128xf32, #tpu.memory_space<vmem_shared>> -> memref<640x128xf32, #tpu.memory_space<vmem_shared>>
        tpu.enqueue_dma source(%dma_start3A_29 : memref<640x128xf32, #tpu.memory_space<vmem_shared>>) target(%dma_start3A_27 : memref<640x128xf32, #tpu.memory_space<hbm>>) target_semaphore(%run_scoped3A : memref<!tpu.dma_semaphore, #tpu.memory_space<semaphore_mem>>)
        %dma_wait3A = arith.constant 0 : i32
        %dma_wait3A_30 = tpu.memref_slice %arg5[%arg0, %mul3A_4, %dma_wait3A] : memref<2x10000x128xf32, #tpu.memory_space<hbm>> -> memref<1x640x128xf32, #tpu.memory_space<hbm>>
        %dma_wait3A_31 = tpu.memref_squeeze %dma_wait3A_30 : memref<1x640x128xf32, #tpu.memory_space<hbm>> -> memref<640x128xf32, #tpu.memory_space<hbm>>
        %dma_wait3A_32 = arith.constant 0 : i32
        %dma_wait3A_33 = tpu.memref_slice %arg10[%mul3A_4, %dma_wait3A_32] : memref<10240x128xf32, #tpu.memory_space<vmem_shared>> -> memref<640x128xf32, #tpu.memory_space<vmem_shared>>
        tpu.wait_dma2 semaphore(%run_scoped3A : memref<!tpu.dma_semaphore, #tpu.memory_space<semaphore_mem>>) src(%dma_wait3A_33 : memref<640x128xf32, #tpu.memory_space<vmem_shared>>) dst(%dma_wait3A_31 : memref<640x128xf32, #tpu.memory_space<hbm>>)
        tpu.yield
      }) : () -> ()
    } else {
    }
    %eq3A = arith.constant 15 : i32
    %eq3A_22 = arith.cmpi eq, %arg1, %eq3A : i32
    %convert_element_type3A_23 = arith.extui %eq3A_22 : i1 to i32
    %cond3A_24 = arith.constant 0 : i32
    %cond3A_25 = arith.cmpi ne, %convert_element_type3A_23, %cond3A_24 : i32
    scf.if %cond3A_25 {
      "tpu.region"() ({
        %run_scoped3A = tpu.sem_alloc : memref<!tpu.dma_semaphore, #tpu.memory_space<semaphore_mem>>
        %dma_start3A = arith.constant 0 : i32
        %dma_start3A_26 = tpu.memref_slice %arg5[%arg0, %mul3A_4, %dma_start3A] : memref<2x10000x128xf32, #tpu.memory_space<hbm>> -> memref<1x400x128xf32, #tpu.memory_space<hbm>>
        %dma_start3A_27 = tpu.memref_squeeze %dma_start3A_26 : memref<1x400x128xf32, #tpu.memory_space<hbm>> -> memref<400x128xf32, #tpu.memory_space<hbm>>
        %dma_start3A_28 = arith.constant 0 : i32
        %dma_start3A_29 = tpu.memref_slice %arg10[%mul3A_4, %dma_start3A_28] : memref<10240x128xf32, #tpu.memory_space<vmem_shared>> -> memref<400x128xf32, #tpu.memory_space<vmem_shared>>
        tpu.enqueue_dma source(%dma_start3A_29 : memref<400x128xf32, #tpu.memory_space<vmem_shared>>) target(%dma_start3A_27 : memref<400x128xf32, #tpu.memory_space<hbm>>) target_semaphore(%run_scoped3A : memref<!tpu.dma_semaphore, #tpu.memory_space<semaphore_mem>>)
        %dma_wait3A = arith.constant 0 : i32
        %dma_wait3A_30 = tpu.memref_slice %arg5[%arg0, %mul3A_4, %dma_wait3A] : memref<2x10000x128xf32, #tpu.memory_space<hbm>> -> memref<1x400x128xf32, #tpu.memory_space<hbm>>
        %dma_wait3A_31 = tpu.memref_squeeze %dma_wait3A_30 : memref<1x400x128xf32, #tpu.memory_space<hbm>> -> memref<400x128xf32, #tpu.memory_space<hbm>>
        %dma_wait3A_32 = arith.constant 0 : i32
        %dma_wait3A_33 = tpu.memref_slice %arg10[%mul3A_4, %dma_wait3A_32] : memref<10240x128xf32, #tpu.memory_space<vmem_shared>> -> memref<400x128xf32, #tpu.memory_space<vmem_shared>>
        tpu.wait_dma2 semaphore(%run_scoped3A : memref<!tpu.dma_semaphore, #tpu.memory_space<semaphore_mem>>) src(%dma_wait3A_33 : memref<400x128xf32, #tpu.memory_space<vmem_shared>>) dst(%dma_wait3A_31 : memref<400x128xf32, #tpu.memory_space<hbm>>)
        tpu.yield
      }) : () -> ()
    } else {
    }
    return
  }
}

#map = affine_map<(d0, d1) -> (0, 0)>
#map1 = affine_map<(d0, d1) -> (0, 0, 0, 0)>
#map2 = affine_map<(d0, d1) -> (0, 0, 0)>
module attributes {stable_mosaic.version = 14 : i64} {
  func.func @body(%arg0: i32, %arg1: i32, %arg2: memref<10000x128xf32, #tpu.memory_space<hbm>>, %arg3: memref<2x16x80x128xi32, #tpu.memory_space<hbm>>, %arg4: memref<2x16x80x128xi32, #tpu.memory_space<hbm>>, %arg5: memref<2x10000x128xf32, #tpu.memory_space<hbm>>, %arg6: memref<40x128xi32, #tpu.memory_space<vmem>>, %arg7: memref<40x128xi32, #tpu.memory_space<vmem>>, %arg8: memref<128x128xf32, #tpu.memory_space<vmem>>, %arg9: memref<128x128xf32, #tpu.memory_space<vmem>>, %arg10: memref<10240x128xf32, #tpu.memory_space<vmem_shared>>, %arg11: memref<!tpu.dma_semaphore, #tpu.memory_space<semaphore_mem>>, %arg12: memref<!tpu.dma_semaphore, #tpu.memory_space<semaphore_mem>>, %arg13: memref<!tpu.dma_semaphore, #tpu.memory_space<semaphore_mem>>, %arg14: memref<!tpu.dma_semaphore, #tpu.memory_space<semaphore_mem>>) attributes {dimension_semantics = [#tpu.dimension_semantics<core_parallel>, #tpu.dimension_semantics<subcore_parallel>], iteration_bounds = array<i64: 2, 16>, scalar_prefetch = 0 : i64, scratch_operands = 9 : i64, tpu.core_type = #tpu.core_type<sc_vector_subcore>, window_params = [{transform_indices = #map}, {transform_indices = #map1}, {transform_indices = #map1}, {transform_indices = #map2}]} {
    %scan3A = arith.constant 0 : i32
    %scan3A_0 = arith.constant 128 : i32
    %scan3A_1 = arith.addi %scan3A, %scan3A_0 : i32
    %scan3A_2 = arith.constant 1 : i32
    scf.for %scan3A_26 = %scan3A to %scan3A_1 step %scan3A_2  : i32 {
      %mul3A_27 = arith.constant 1 : i32
      %mul3A_28 = arith.muli %scan3A_26, %mul3A_27 : i32
      %add3A_29 = arith.constant 0 : i32
      %add3A_30 = arith.addi %add3A_29, %mul3A_28 : i32
      %scan3A_31 = arith.constant 0 : i32
      %scan3A_32 = arith.constant 8 : i32
      %scan3A_33 = arith.addi %scan3A_31, %scan3A_32 : i32
      %scan3A_34 = arith.constant 1 : i32
      scf.for %scan3A_36 = %scan3A_31 to %scan3A_33 step %scan3A_34  : i32 {
        %mul3A_37 = arith.constant 16 : i32
        %mul3A_38 = arith.muli %scan3A_36, %mul3A_37 : i32
        %add3A_39 = arith.constant 0 : i32
        %add3A_40 = arith.addi %add3A_39, %mul3A_38 : i32
        %broadcast_in_dim3A = arith.constant 0.000000e+00 : f32
        %broadcast_in_dim3A_41 = vector.broadcast %broadcast_in_dim3A : f32 to vector<16xf32>
        %swap3A = arith.index_cast %add3A_30 : i32 to index
        %swap3A_42 = arith.index_cast %add3A_40 : i32 to index
        %swap3A_43 = tpu.vector_load %arg8[%swap3A, %swap3A_42] {strides = array<i32>} : memref<128x128xf32, #tpu.memory_space<vmem>>, vector<1x16xf32>,
        %swap3A_44 = vector.shape_cast %swap3A_43 : vector<1x16xf32> to vector<16xf32>
        %swap3A_45 = vector.shape_cast %broadcast_in_dim3A_41 : vector<16xf32> to vector<1x16xf32>
        tpu.vector_store %arg8[%swap3A, %swap3A_42], %swap3A_45 {strides = array<i32>} : memref<128x128xf32, #tpu.memory_space<vmem>>, vector<1x16xf32>,
      }
      %scan3A_35 = arith.constant 8 : i32
    }
    %scan3A_3 = arith.constant 128 : i32
    %mul3A = arith.constant 640 : i32
    %mul3A_4 = arith.muli %arg1, %mul3A : i32
    %add3A = arith.constant 0 : i32
    %add3A_5 = arith.addi %mul3A_4, %add3A : i32
    "tpu.region"() ({
      %run_scoped3A = tpu.sem_alloc : memref<!tpu.dma_semaphore, #tpu.memory_space<semaphore_mem>>
      %dma_start3A = arith.constant 0 : i32
      %dma_start3A_26 = tpu.memref_slice %arg10[%add3A_5, %dma_start3A] : memref<10240x128xf32, #tpu.memory_space<vmem_shared>> -> memref<128x128xf32, #tpu.memory_space<vmem_shared>>
      %dma_start3A_27 = arith.constant 0 : i32
      %dma_start3A_28 = tpu.memref_slice %arg10[%add3A_5, %dma_start3A_27] : memref<10240x128xf32, #tpu.memory_space<vmem_shared>> -> memref<128x128xf32, #tpu.memory_space<vmem_shared>>
      tpu.enqueue_dma source(%arg8 : memref<128x128xf32, #tpu.memory_space<vmem>>) target(%dma_start3A_28 : memref<128x128xf32, #tpu.memory_space<vmem_shared>>) target_semaphore(%run_scoped3A : memref<!tpu.dma_semaphore, #tpu.memory_space<semaphore_mem>>)
      %dma_wait3A = arith.constant 0 : i32
      %dma_wait3A_29 = tpu.memref_slice %arg10[%add3A_5, %dma_wait3A] : memref<10240x128xf32, #tpu.memory_space<vmem_shared>> -> memref<128x128xf32, #tpu.memory_space<vmem_shared>>
      %dma_wait3A_30 = arith.constant 0 : i32
      %dma_wait3A_31 = tpu.memref_slice %arg10[%add3A_5, %dma_wait3A_30] : memref<10240x128xf32, #tpu.memory_space<vmem_shared>> -> memref<128x128xf32, #tpu.memory_space<vmem_shared>>
      tpu.wait_dma2 semaphore(%run_scoped3A : memref<!tpu.dma_semaphore, #tpu.memory_space<semaphore_mem>>) src(%arg8 : memref<128x128xf32, #tpu.memory_space<vmem>>) dst(%dma_wait3A_31 : memref<128x128xf32, #tpu.memory_space<vmem_shared>>)
      tpu.yield
    }) : () -> ()
    %add3A_6 = arith.constant 128 : i32
    %add3A_7 = arith.addi %mul3A_4, %add3A_6 : i32
    "tpu.region"() ({
      %run_scoped3A = tpu.sem_alloc : memref<!tpu.dma_semaphore, #tpu.memory_space<semaphore_mem>>
      %dma_start3A = arith.constant 0 : i32
      %dma_start3A_26 = tpu.memref_slice %arg10[%add3A_7, %dma_start3A] : memref<10240x128xf32, #tpu.memory_space<vmem_shared>> -> memref<128x128xf32, #tpu.memory_space<vmem_shared>>
      %dma_start3A_27 = arith.constant 0 : i32
      %dma_start3A_28 = tpu.memref_slice %arg10[%add3A_7, %dma_start3A_27] : memref<10240x128xf32, #tpu.memory_space<vmem_shared>> -> memref<128x128xf32, #tpu.memory_space<vmem_shared>>
      tpu.enqueue_dma source(%arg8 : memref<128x128xf32, #tpu.memory_space<vmem>>) target(%dma_start3A_28 : memref<128x128xf32, #tpu.memory_space<vmem_shared>>) target_semaphore(%run_scoped3A : memref<!tpu.dma_semaphore, #tpu.memory_space<semaphore_mem>>)
      %dma_wait3A = arith.constant 0 : i32
      %dma_wait3A_29 = tpu.memref_slice %arg10[%add3A_7, %dma_wait3A] : memref<10240x128xf32, #tpu.memory_space<vmem_shared>> -> memref<128x128xf32, #tpu.memory_space<vmem_shared>>
      %dma_wait3A_30 = arith.constant 0 : i32
      %dma_wait3A_31 = tpu.memref_slice %arg10[%add3A_7, %dma_wait3A_30] : memref<10240x128xf32, #tpu.memory_space<vmem_shared>> -> memref<128x128xf32, #tpu.memory_space<vmem_shared>>
      tpu.wait_dma2 semaphore(%run_scoped3A : memref<!tpu.dma_semaphore, #tpu.memory_space<semaphore_mem>>) src(%arg8 : memref<128x128xf32, #tpu.memory_space<vmem>>) dst(%dma_wait3A_31 : memref<128x128xf32, #tpu.memory_space<vmem_shared>>)
      tpu.yield
    }) : () -> ()
    %add3A_8 = arith.constant 256 : i32
    %add3A_9 = arith.addi %mul3A_4, %add3A_8 : i32
    "tpu.region"() ({
      %run_scoped3A = tpu.sem_alloc : memref<!tpu.dma_semaphore, #tpu.memory_space<semaphore_mem>>
      %dma_start3A = arith.constant 0 : i32
      %dma_start3A_26 = tpu.memref_slice %arg10[%add3A_9, %dma_start3A] : memref<10240x128xf32, #tpu.memory_space<vmem_shared>> -> memref<128x128xf32, #tpu.memory_space<vmem_shared>>
      %dma_start3A_27 = arith.constant 0 : i32
      %dma_start3A_28 = tpu.memref_slice %arg10[%add3A_9, %dma_start3A_27] : memref<10240x128xf32, #tpu.memory_space<vmem_shared>> -> memref<128x128xf32, #tpu.memory_space<vmem_shared>>
      tpu.enqueue_dma source(%arg8 : memref<128x128xf32, #tpu.memory_space<vmem>>) target(%dma_start3A_28 : memref<128x128xf32, #tpu.memory_space<vmem_shared>>) target_semaphore(%run_scoped3A : memref<!tpu.dma_semaphore, #tpu.memory_space<semaphore_mem>>)
      %dma_wait3A = arith.constant 0 : i32
      %dma_wait3A_29 = tpu.memref_slice %arg10[%add3A_9, %dma_wait3A] : memref<10240x128xf32, #tpu.memory_space<vmem_shared>> -> memref<128x128xf32, #tpu.memory_space<vmem_shared>>
      %dma_wait3A_30 = arith.constant 0 : i32
      %dma_wait3A_31 = tpu.memref_slice %arg10[%add3A_9, %dma_wait3A_30] : memref<10240x128xf32, #tpu.memory_space<vmem_shared>> -> memref<128x128xf32, #tpu.memory_space<vmem_shared>>
      tpu.wait_dma2 semaphore(%run_scoped3A : memref<!tpu.dma_semaphore, #tpu.memory_space<semaphore_mem>>) src(%arg8 : memref<128x128xf32, #tpu.memory_space<vmem>>) dst(%dma_wait3A_31 : memref<128x128xf32, #tpu.memory_space<vmem_shared>>)
      tpu.yield
    }) : () -> ()
    %add3A_10 = arith.constant 384 : i32
    %add3A_11 = arith.addi %mul3A_4, %add3A_10 : i32
    "tpu.region"() ({
      %run_scoped3A = tpu.sem_alloc : memref<!tpu.dma_semaphore, #tpu.memory_space<semaphore_mem>>
      %dma_start3A = arith.constant 0 : i32
      %dma_start3A_26 = tpu.memref_slice %arg10[%add3A_11, %dma_start3A] : memref<10240x128xf32, #tpu.memory_space<vmem_shared>> -> memref<128x128xf32, #tpu.memory_space<vmem_shared>>
      %dma_start3A_27 = arith.constant 0 : i32
      %dma_start3A_28 = tpu.memref_slice %arg10[%add3A_11, %dma_start3A_27] : memref<10240x128xf32, #tpu.memory_space<vmem_shared>> -> memref<128x128xf32, #tpu.memory_space<vmem_shared>>
      tpu.enqueue_dma source(%arg8 : memref<128x128xf32, #tpu.memory_space<vmem>>) target(%dma_start3A_28 : memref<128x128xf32, #tpu.memory_space<vmem_shared>>) target_semaphore(%run_scoped3A : memref<!tpu.dma_semaphore, #tpu.memory_space<semaphore_mem>>)
      %dma_wait3A = arith.constant 0 : i32
      %dma_wait3A_29 = tpu.memref_slice %arg10[%add3A_11, %dma_wait3A] : memref<10240x128xf32, #tpu.memory_space<vmem_shared>> -> memref<128x128xf32, #tpu.memory_space<vmem_shared>>
      %dma_wait3A_30 = arith.constant 0 : i32
      %dma_wait3A_31 = tpu.memref_slice %arg10[%add3A_11, %dma_wait3A_30] : memref<10240x128xf32, #tpu.memory_space<vmem_shared>> -> memref<128x128xf32, #tpu.memory_space<vmem_shared>>
      tpu.wait_dma2 semaphore(%run_scoped3A : memref<!tpu.dma_semaphore, #tpu.memory_space<semaphore_mem>>) src(%arg8 : memref<128x128xf32, #tpu.memory_space<vmem>>) dst(%dma_wait3A_31 : memref<128x128xf32, #tpu.memory_space<vmem_shared>>)
      tpu.yield
    }) : () -> ()
    %add3A_12 = arith.constant 512 : i32
    %add3A_13 = arith.addi %mul3A_4, %add3A_12 : i32
    "tpu.region"() ({
      %run_scoped3A = tpu.sem_alloc : memref<!tpu.dma_semaphore, #tpu.memory_space<semaphore_mem>>
      %dma_start3A = arith.constant 0 : i32
      %dma_start3A_26 = tpu.memref_slice %arg10[%add3A_13, %dma_start3A] : memref<10240x128xf32, #tpu.memory_space<vmem_shared>> -> memref<128x128xf32, #tpu.memory_space<vmem_shared>>
      %dma_start3A_27 = arith.constant 0 : i32
      %dma_start3A_28 = tpu.memref_slice %arg10[%add3A_13, %dma_start3A_27] : memref<10240x128xf32, #tpu.memory_space<vmem_shared>> -> memref<128x128xf32, #tpu.memory_space<vmem_shared>>
      tpu.enqueue_dma source(%arg8 : memref<128x128xf32, #tpu.memory_space<vmem>>) target(%dma_start3A_28 : memref<128x128xf32, #tpu.memory_space<vmem_shared>>) target_semaphore(%run_scoped3A : memref<!tpu.dma_semaphore, #tpu.memory_space<semaphore_mem>>)
      %dma_wait3A = arith.constant 0 : i32
      %dma_wait3A_29 = tpu.memref_slice %arg10[%add3A_13, %dma_wait3A] : memref<10240x128xf32, #tpu.memory_space<vmem_shared>> -> memref<128x128xf32, #tpu.memory_space<vmem_shared>>
      %dma_wait3A_30 = arith.constant 0 : i32
      %dma_wait3A_31 = tpu.memref_slice %arg10[%add3A_13, %dma_wait3A_30] : memref<10240x128xf32, #tpu.memory_space<vmem_shared>> -> memref<128x128xf32, #tpu.memory_space<vmem_shared>>
      tpu.wait_dma2 semaphore(%run_scoped3A : memref<!tpu.dma_semaphore, #tpu.memory_space<semaphore_mem>>) src(%arg8 : memref<128x128xf32, #tpu.memory_space<vmem>>) dst(%dma_wait3A_31 : memref<128x128xf32, #tpu.memory_space<vmem_shared>>)
      tpu.yield
    }) : () -> ()
    %barrier3A = arith.constant 0 : index
    tpu.barrier barrier_id(%barrier3A)
    %scan3A_14 = arith.constant 0 : i32
    %scan3A_15 = arith.constant 2 : i32
    %scan3A_16 = arith.addi %scan3A_14, %scan3A_15 : i32
    %scan3A_17 = arith.constant 1 : i32
    scf.for %scan3A_26 = %scan3A_14 to %scan3A_16 step %scan3A_17  : i32 {
      %mul3A_27 = arith.constant 40 : i32
      %mul3A_28 = arith.muli %scan3A_26, %mul3A_27 : i32
      %add3A_29 = arith.constant 0 : i32
      %add3A_30 = arith.addi %add3A_29, %mul3A_28 : i32
      "tpu.region"() ({
        %run_scoped3A = tpu.sem_alloc : memref<!tpu.dma_semaphore, #tpu.memory_space<semaphore_mem>>
        %dma_start3A_49 = arith.constant 0 : i32
        %dma_start3A_50 = tpu.memref_slice %arg3[%arg0, %arg1, %add3A_30, %dma_start3A_49] : memref<2x16x80x128xi32, #tpu.memory_space<hbm>> -> memref<1x1x40x128xi32, #tpu.memory_space<hbm>>
        %dma_start3A_51 = tpu.memref_squeeze %dma_start3A_50 : memref<1x1x40x128xi32, #tpu.memory_space<hbm>> -> memref<40x128xi32, #tpu.memory_space<hbm>>
        %dma_start3A_52 = arith.constant 0 : i32
        %dma_start3A_53 = tpu.memref_slice %arg3[%arg0, %arg1, %add3A_30, %dma_start3A_52] : memref<2x16x80x128xi32, #tpu.memory_space<hbm>> -> memref<1x1x40x128xi32, #tpu.memory_space<hbm>>
        %dma_start3A_54 = tpu.memref_squeeze %dma_start3A_53 : memref<1x1x40x128xi32, #tpu.memory_space<hbm>> -> memref<40x128xi32, #tpu.memory_space<hbm>>
        tpu.enqueue_dma source(%dma_start3A_54 : memref<40x128xi32, #tpu.memory_space<hbm>>) target(%arg6 : memref<40x128xi32, #tpu.memory_space<vmem>>) target_semaphore(%run_scoped3A : memref<!tpu.dma_semaphore, #tpu.memory_space<semaphore_mem>>)
        %dma_wait3A = arith.constant 0 : i32
        %dma_wait3A_55 = tpu.memref_slice %arg3[%arg0, %arg1, %add3A_30, %dma_wait3A] : memref<2x16x80x128xi32, #tpu.memory_space<hbm>> -> memref<1x1x40x128xi32, #tpu.memory_space<hbm>>
        %dma_wait3A_56 = tpu.memref_squeeze %dma_wait3A_55 : memref<1x1x40x128xi32, #tpu.memory_space<hbm>> -> memref<40x128xi32, #tpu.memory_space<hbm>>
        %dma_wait3A_57 = arith.constant 0 : i32
        %dma_wait3A_58 = tpu.memref_slice %arg3[%arg0, %arg1, %add3A_30, %dma_wait3A_57] : memref<2x16x80x128xi32, #tpu.memory_space<hbm>> -> memref<1x1x40x128xi32, #tpu.memory_space<hbm>>
        %dma_wait3A_59 = tpu.memref_squeeze %dma_wait3A_58 : memref<1x1x40x128xi32, #tpu.memory_space<hbm>> -> memref<40x128xi32, #tpu.memory_space<hbm>>
        tpu.wait_dma2 semaphore(%run_scoped3A : memref<!tpu.dma_semaphore, #tpu.memory_space<semaphore_mem>>) src(%dma_wait3A_59 : memref<40x128xi32, #tpu.memory_space<hbm>>) dst(%arg6 : memref<40x128xi32, #tpu.memory_space<vmem>>)
        tpu.yield
      }) : () -> ()
      "tpu.region"() ({
        %run_scoped3A = tpu.sem_alloc : memref<!tpu.dma_semaphore, #tpu.memory_space<semaphore_mem>>
        %dma_start3A_49 = arith.constant 0 : i32
        %dma_start3A_50 = tpu.memref_slice %arg4[%arg0, %arg1, %add3A_30, %dma_start3A_49] : memref<2x16x80x128xi32, #tpu.memory_space<hbm>> -> memref<1x1x40x128xi32, #tpu.memory_space<hbm>>
        %dma_start3A_51 = tpu.memref_squeeze %dma_start3A_50 : memref<1x1x40x128xi32, #tpu.memory_space<hbm>> -> memref<40x128xi32, #tpu.memory_space<hbm>>
        %dma_start3A_52 = arith.constant 0 : i32
        %dma_start3A_53 = tpu.memref_slice %arg4[%arg0, %arg1, %add3A_30, %dma_start3A_52] : memref<2x16x80x128xi32, #tpu.memory_space<hbm>> -> memref<1x1x40x128xi32, #tpu.memory_space<hbm>>
        %dma_start3A_54 = tpu.memref_squeeze %dma_start3A_53 : memref<1x1x40x128xi32, #tpu.memory_space<hbm>> -> memref<40x128xi32, #tpu.memory_space<hbm>>
        tpu.enqueue_dma source(%dma_start3A_54 : memref<40x128xi32, #tpu.memory_space<hbm>>) target(%arg7 : memref<40x128xi32, #tpu.memory_space<vmem>>) target_semaphore(%run_scoped3A : memref<!tpu.dma_semaphore, #tpu.memory_space<semaphore_mem>>)
        %dma_wait3A = arith.constant 0 : i32
        %dma_wait3A_55 = tpu.memref_slice %arg4[%arg0, %arg1, %add3A_30, %dma_wait3A] : memref<2x16x80x128xi32, #tpu.memory_space<hbm>> -> memref<1x1x40x128xi32, #tpu.memory_space<hbm>>
        %dma_wait3A_56 = tpu.memref_squeeze %dma_wait3A_55 : memref<1x1x40x128xi32, #tpu.memory_space<hbm>> -> memref<40x128xi32, #tpu.memory_space<hbm>>
        %dma_wait3A_57 = arith.constant 0 : i32
        %dma_wait3A_58 = tpu.memref_slice %arg4[%arg0, %arg1, %add3A_30, %dma_wait3A_57] : memref<2x16x80x128xi32, #tpu.memory_space<hbm>> -> memref<1x1x40x128xi32, #tpu.memory_space<hbm>>
        %dma_wait3A_59 = tpu.memref_squeeze %dma_wait3A_58 : memref<1x1x40x128xi32, #tpu.memory_space<hbm>> -> memref<40x128xi32, #tpu.memory_space<hbm>>
        tpu.wait_dma2 semaphore(%run_scoped3A : memref<!tpu.dma_semaphore, #tpu.memory_space<semaphore_mem>>) src(%dma_wait3A_59 : memref<40x128xi32, #tpu.memory_space<hbm>>) dst(%arg7 : memref<40x128xi32, #tpu.memory_space<vmem>>)
        tpu.yield
      }) : () -> ()
      %dma_start3A = arith.constant 0 : i32
      %dma_start3A_31 = arith.constant 0 : i32
      %dma_start3A_32 = tpu.memref_slice %arg7[%dma_start3A, %dma_start3A_31] : memref<40x128xi32, #tpu.memory_space<vmem>> -> memref<1x128xi32, #tpu.memory_space<vmem>>
      %dma_start3A_33 = tpu.memref_squeeze %dma_start3A_32 : memref<1x128xi32, #tpu.memory_space<vmem>> -> memref<128xi32, #tpu.memory_space<vmem>>
      %dma_start3A_34 = arith.constant 0 : i32
      %dma_start3A_35 = arith.constant 0 : i32
      %dma_start3A_36 = tpu.memref_slice %arg2[%dma_start3A_34, %dma_start3A_35] : memref<10000x128xf32, #tpu.memory_space<hbm>> -> memref<10000x128xf32, #tpu.memory_space<hbm>>
      tpu.enqueue_indirect_dma source(%dma_start3A_36 : memref<10000x128xf32, #tpu.memory_space<hbm>>) target(%arg8 : memref<128x128xf32, #tpu.memory_space<vmem>>) offsets(%dma_start3A_33 : memref<128xi32, #tpu.memory_space<vmem>>) semaphore(%arg11 : memref<!tpu.dma_semaphore, #tpu.memory_space<semaphore_mem>>)
      %dma_start3A_37 = arith.constant 1 : i32
      %dma_start3A_38 = arith.constant 0 : i32
      %dma_start3A_39 = tpu.memref_slice %arg7[%dma_start3A_37, %dma_start3A_38] : memref<40x128xi32, #tpu.memory_space<vmem>> -> memref<1x128xi32, #tpu.memory_space<vmem>>
      %dma_start3A_40 = tpu.memref_squeeze %dma_start3A_39 : memref<1x128xi32, #tpu.memory_space<vmem>> -> memref<128xi32, #tpu.memory_space<vmem>>
      %dma_start3A_41 = arith.constant 0 : i32
      %dma_start3A_42 = arith.constant 0 : i32
      %dma_start3A_43 = tpu.memref_slice %arg2[%dma_start3A_41, %dma_start3A_42] : memref<10000x128xf32, #tpu.memory_space<hbm>> -> memref<10000x128xf32, #tpu.memory_space<hbm>>
      tpu.enqueue_indirect_dma source(%dma_start3A_43 : memref<10000x128xf32, #tpu.memory_space<hbm>>) target(%arg9 : memref<128x128xf32, #tpu.memory_space<vmem>>) offsets(%dma_start3A_40 : memref<128xi32, #tpu.memory_space<vmem>>) semaphore(%arg12 : memref<!tpu.dma_semaphore, #tpu.memory_space<semaphore_mem>>)
      %scan3A_44 = arith.constant 0 : i32
      %scan3A_45 = arith.constant 20 : i32
      %scan3A_46 = arith.addi %scan3A_44, %scan3A_45 : i32
      %scan3A_47 = arith.constant 1 : i32
      scf.for %scan3A_49 = %scan3A_44 to %scan3A_46 step %scan3A_47  : i32 {
        %mul3A_50 = arith.constant 2 : i32
        %mul3A_51 = arith.muli %scan3A_49, %mul3A_50 : i32
        %add3A_52 = arith.constant 0 : i32
        %add3A_53 = arith.addi %add3A_52, %mul3A_51 : i32
        %add3A_54 = arith.constant 0 : i32
        %add3A_55 = arith.addi %add3A_53, %add3A_54 : i32
        %dma_wait3A = arith.constant 0 : i32
        %dma_wait3A_56 = tpu.memref_slice %arg7[%add3A_55, %dma_wait3A] : memref<40x128xi32, #tpu.memory_space<vmem>> -> memref<1x128xi32, #tpu.memory_space<vmem>>
        %dma_wait3A_57 = tpu.memref_squeeze %dma_wait3A_56 : memref<1x128xi32, #tpu.memory_space<vmem>> -> memref<128xi32, #tpu.memory_space<vmem>>
        %dma_wait3A_58 = arith.constant 0 : i32
        %dma_wait3A_59 = arith.constant 0 : i32
        %dma_wait3A_60 = tpu.memref_slice %arg2[%dma_wait3A_58, %dma_wait3A_59] : memref<10000x128xf32, #tpu.memory_space<hbm>> -> memref<10000x128xf32, #tpu.memory_space<hbm>>
        tpu.wait_indirect_dma semaphore(%arg11 : memref<!tpu.dma_semaphore, #tpu.memory_space<semaphore_mem>>) src(%dma_wait3A_60 : memref<10000x128xf32, #tpu.memory_space<hbm>>) dst(%arg8 : memref<128x128xf32, #tpu.memory_space<vmem>>)
        %dma_start3A_61 = arith.constant 0 : i32
        %dma_start3A_62 = tpu.memref_slice %arg6[%add3A_55, %dma_start3A_61] : memref<40x128xi32, #tpu.memory_space<vmem>> -> memref<1x128xi32, #tpu.memory_space<vmem>>
        %dma_start3A_63 = tpu.memref_squeeze %dma_start3A_62 : memref<1x128xi32, #tpu.memory_space<vmem>> -> memref<128xi32, #tpu.memory_space<vmem>>
        %dma_start3A_64 = arith.constant 0 : i32
        %dma_start3A_65 = arith.constant 0 : i32
        %dma_start3A_66 = tpu.memref_slice %arg10[%dma_start3A_64, %dma_start3A_65] : memref<10240x128xf32, #tpu.memory_space<vmem_shared>> -> memref<10240x128xf32, #tpu.memory_space<vmem_shared>>
        tpu.enqueue_indirect_dma source(%arg8 : memref<128x128xf32, #tpu.memory_space<vmem>>) target(%dma_start3A_66 : memref<10240x128xf32, #tpu.memory_space<vmem_shared>>) offsets(%dma_start3A_63 : memref<128xi32, #tpu.memory_space<vmem>>) semaphore(%arg13 : memref<!tpu.dma_semaphore, #tpu.memory_space<semaphore_mem>>) {add = true}
        %dma_wait3A_67 = arith.constant 0 : i32
        %dma_wait3A_68 = tpu.memref_slice %arg6[%add3A_55, %dma_wait3A_67] : memref<40x128xi32, #tpu.memory_space<vmem>> -> memref<1x128xi32, #tpu.memory_space<vmem>>
        %dma_wait3A_69 = tpu.memref_squeeze %dma_wait3A_68 : memref<1x128xi32, #tpu.memory_space<vmem>> -> memref<128xi32, #tpu.memory_space<vmem>>
        %dma_wait3A_70 = arith.constant 0 : i32
        %dma_wait3A_71 = arith.constant 0 : i32
        %dma_wait3A_72 = tpu.memref_slice %arg10[%dma_wait3A_70, %dma_wait3A_71] : memref<10240x128xf32, #tpu.memory_space<vmem_shared>> -> memref<10240x128xf32, #tpu.memory_space<vmem_shared>>
        tpu.wait_indirect_dma semaphore(%arg13 : memref<!tpu.dma_semaphore, #tpu.memory_space<semaphore_mem>>) src(%arg8 : memref<128x128xf32, #tpu.memory_space<vmem>>) dst(%dma_wait3A_72 : memref<10240x128xf32, #tpu.memory_space<vmem_shared>>)
        %add3A_73 = arith.constant 2 : i32
        %add3A_74 = arith.addi %add3A_55, %add3A_73 : i32
        %lt3A_75 = arith.constant 40 : i32
        %lt3A_76 = arith.cmpi slt, %add3A_74, %lt3A_75 : i32
        %convert_element_type3A_77 = arith.extui %lt3A_76 : i1 to i32
        %cond3A_78 = arith.constant 0 : i32
        %cond3A_79 = arith.cmpi ne, %convert_element_type3A_77, %cond3A_78 : i32
        scf.if %cond3A_79 {
          %add3A_107 = arith.constant 2 : i32
          %add3A_108 = arith.addi %add3A_55, %add3A_107 : i32
          %dma_start3A_109 = arith.constant 0 : i32
          %dma_start3A_110 = tpu.memref_slice %arg7[%add3A_108, %dma_start3A_109] : memref<40x128xi32, #tpu.memory_space<vmem>> -> memref<1x128xi32, #tpu.memory_space<vmem>>
          %dma_start3A_111 = tpu.memref_squeeze %dma_start3A_110 : memref<1x128xi32, #tpu.memory_space<vmem>> -> memref<128xi32, #tpu.memory_space<vmem>>
          %dma_start3A_112 = arith.constant 0 : i32
          %dma_start3A_113 = arith.constant 0 : i32
          %dma_start3A_114 = tpu.memref_slice %arg2[%dma_start3A_112, %dma_start3A_113] : memref<10000x128xf32, #tpu.memory_space<hbm>> -> memref<10000x128xf32, #tpu.memory_space<hbm>>
          tpu.enqueue_indirect_dma source(%dma_start3A_114 : memref<10000x128xf32, #tpu.memory_space<hbm>>) target(%arg8 : memref<128x128xf32, #tpu.memory_space<vmem>>) offsets(%dma_start3A_111 : memref<128xi32, #tpu.memory_space<vmem>>) semaphore(%arg11 : memref<!tpu.dma_semaphore, #tpu.memory_space<semaphore_mem>>)
        } else {
        }
        %add3A_80 = arith.constant 1 : i32
        %add3A_81 = arith.addi %add3A_53, %add3A_80 : i32
        %dma_wait3A_82 = arith.constant 0 : i32
        %dma_wait3A_83 = tpu.memref_slice %arg7[%add3A_81, %dma_wait3A_82] : memref<40x128xi32, #tpu.memory_space<vmem>> -> memref<1x128xi32, #tpu.memory_space<vmem>>
        %dma_wait3A_84 = tpu.memref_squeeze %dma_wait3A_83 : memref<1x128xi32, #tpu.memory_space<vmem>> -> memref<128xi32, #tpu.memory_space<vmem>>
        %dma_wait3A_85 = arith.constant 0 : i32
        %dma_wait3A_86 = arith.constant 0 : i32
        %dma_wait3A_87 = tpu.memref_slice %arg2[%dma_wait3A_85, %dma_wait3A_86] : memref<10000x128xf32, #tpu.memory_space<hbm>> -> memref<10000x128xf32, #tpu.memory_space<hbm>>
        tpu.wait_indirect_dma semaphore(%arg12 : memref<!tpu.dma_semaphore, #tpu.memory_space<semaphore_mem>>) src(%dma_wait3A_87 : memref<10000x128xf32, #tpu.memory_space<hbm>>) dst(%arg9 : memref<128x128xf32, #tpu.memory_space<vmem>>)
        %dma_start3A_88 = arith.constant 0 : i32
        %dma_start3A_89 = tpu.memref_slice %arg6[%add3A_81, %dma_start3A_88] : memref<40x128xi32, #tpu.memory_space<vmem>> -> memref<1x128xi32, #tpu.memory_space<vmem>>
        %dma_start3A_90 = tpu.memref_squeeze %dma_start3A_89 : memref<1x128xi32, #tpu.memory_space<vmem>> -> memref<128xi32, #tpu.memory_space<vmem>>
        %dma_start3A_91 = arith.constant 0 : i32
        %dma_start3A_92 = arith.constant 0 : i32
        %dma_start3A_93 = tpu.memref_slice %arg10[%dma_start3A_91, %dma_start3A_92] : memref<10240x128xf32, #tpu.memory_space<vmem_shared>> -> memref<10240x128xf32, #tpu.memory_space<vmem_shared>>
        tpu.enqueue_indirect_dma source(%arg9 : memref<128x128xf32, #tpu.memory_space<vmem>>) target(%dma_start3A_93 : memref<10240x128xf32, #tpu.memory_space<vmem_shared>>) offsets(%dma_start3A_90 : memref<128xi32, #tpu.memory_space<vmem>>) semaphore(%arg14 : memref<!tpu.dma_semaphore, #tpu.memory_space<semaphore_mem>>) {add = true}
        %dma_wait3A_94 = arith.constant 0 : i32
        %dma_wait3A_95 = tpu.memref_slice %arg6[%add3A_81, %dma_wait3A_94] : memref<40x128xi32, #tpu.memory_space<vmem>> -> memref<1x128xi32, #tpu.memory_space<vmem>>
        %dma_wait3A_96 = tpu.memref_squeeze %dma_wait3A_95 : memref<1x128xi32, #tpu.memory_space<vmem>> -> memref<128xi32, #tpu.memory_space<vmem>>
        %dma_wait3A_97 = arith.constant 0 : i32
        %dma_wait3A_98 = arith.constant 0 : i32
        %dma_wait3A_99 = tpu.memref_slice %arg10[%dma_wait3A_97, %dma_wait3A_98] : memref<10240x128xf32, #tpu.memory_space<vmem_shared>> -> memref<10240x128xf32, #tpu.memory_space<vmem_shared>>
        tpu.wait_indirect_dma semaphore(%arg14 : memref<!tpu.dma_semaphore, #tpu.memory_space<semaphore_mem>>) src(%arg9 : memref<128x128xf32, #tpu.memory_space<vmem>>) dst(%dma_wait3A_99 : memref<10240x128xf32, #tpu.memory_space<vmem_shared>>)
        %add3A_100 = arith.constant 2 : i32
        %add3A_101 = arith.addi %add3A_81, %add3A_100 : i32
        %lt3A_102 = arith.constant 40 : i32
        %lt3A_103 = arith.cmpi slt, %add3A_101, %lt3A_102 : i32
        %convert_element_type3A_104 = arith.extui %lt3A_103 : i1 to i32
        %cond3A_105 = arith.constant 0 : i32
        %cond3A_106 = arith.cmpi ne, %convert_element_type3A_104, %cond3A_105 : i32
        scf.if %cond3A_106 {
          %add3A_107 = arith.constant 2 : i32
          %add3A_108 = arith.addi %add3A_81, %add3A_107 : i32
          %dma_start3A_109 = arith.constant 0 : i32
          %dma_start3A_110 = tpu.memref_slice %arg7[%add3A_108, %dma_start3A_109] : memref<40x128xi32, #tpu.memory_space<vmem>> -> memref<1x128xi32, #tpu.memory_space<vmem>>
          %dma_start3A_111 = tpu.memref_squeeze %dma_start3A_110 : memref<1x128xi32, #tpu.memory_space<vmem>> -> memref<128xi32, #tpu.memory_space<vmem>>
          %dma_start3A_112 = arith.constant 0 : i32
          %dma_start3A_113 = arith.constant 0 : i32
          %dma_start3A_114 = tpu.memref_slice %arg2[%dma_start3A_112, %dma_start3A_113] : memref<10000x128xf32, #tpu.memory_space<hbm>> -> memref<10000x128xf32, #tpu.memory_space<hbm>>
          tpu.enqueue_indirect_dma source(%dma_start3A_114 : memref<10000x128xf32, #tpu.memory_space<hbm>>) target(%arg9 : memref<128x128xf32, #tpu.memory_space<vmem>>) offsets(%dma_start3A_111 : memref<128xi32, #tpu.memory_space<vmem>>) semaphore(%arg12 : memref<!tpu.dma_semaphore, #tpu.memory_space<semaphore_mem>>)
        } else {
        }
      }
      %scan3A_48 = arith.constant 20 : i32
    }
    %scan3A_18 = arith.constant 2 : i32
    %barrier3A_19 = arith.constant 0 : index
    tpu.barrier barrier_id(%barrier3A_19)
    %lt3A = arith.constant 15 : i32
    %lt3A_20 = arith.cmpi slt, %arg1, %lt3A : i32
    %convert_element_type3A = arith.extui %lt3A_20 : i1 to i32
    %cond3A = arith.constant 0 : i32
    %cond3A_21 = arith.cmpi ne, %convert_element_type3A, %cond3A : i32
    scf.if %cond3A_21 {
      "tpu.region"() ({
        %run_scoped3A = tpu.sem_alloc : memref<!tpu.dma_semaphore, #tpu.memory_space<semaphore_mem>>
        %dma_start3A = arith.constant 0 : i32
        %dma_start3A_26 = tpu.memref_slice %arg5[%arg0, %mul3A_4, %dma_start3A] : memref<2x10000x128xf32, #tpu.memory_space<hbm>> -> memref<1x640x128xf32, #tpu.memory_space<hbm>>
        %dma_start3A_27 = tpu.memref_squeeze %dma_start3A_26 : memref<1x640x128xf32, #tpu.memory_space<hbm>> -> memref<640x128xf32, #tpu.memory_space<hbm>>
        %dma_start3A_28 = arith.constant 0 : i32
        %dma_start3A_29 = tpu.memref_slice %arg10[%mul3A_4, %dma_start3A_28] : memref<10240x128xf32, #tpu.memory_space<vmem_shared>> -> memref<640x128xf32, #tpu.memory_space<vmem_shared>>
        tpu.enqueue_dma source(%dma_start3A_29 : memref<640x128xf32, #tpu.memory_space<vmem_shared>>) target(%dma_start3A_27 : memref<640x128xf32, #tpu.memory_space<hbm>>) target_semaphore(%run_scoped3A : memref<!tpu.dma_semaphore, #tpu.memory_space<semaphore_mem>>)
        %dma_wait3A = arith.constant 0 : i32
        %dma_wait3A_30 = tpu.memref_slice %arg5[%arg0, %mul3A_4, %dma_wait3A] : memref<2x10000x128xf32, #tpu.memory_space<hbm>> -> memref<1x640x128xf32, #tpu.memory_space<hbm>>
        %dma_wait3A_31 = tpu.memref_squeeze %dma_wait3A_30 : memref<1x640x128xf32, #tpu.memory_space<hbm>> -> memref<640x128xf32, #tpu.memory_space<hbm>>
        %dma_wait3A_32 = arith.constant 0 : i32
        %dma_wait3A_33 = tpu.memref_slice %arg10[%mul3A_4, %dma_wait3A_32] : memref<10240x128xf32, #tpu.memory_space<vmem_shared>> -> memref<640x128xf32, #tpu.memory_space<vmem_shared>>
        tpu.wait_dma2 semaphore(%run_scoped3A : memref<!tpu.dma_semaphore, #tpu.memory_space<semaphore_mem>>) src(%dma_wait3A_33 : memref<640x128xf32, #tpu.memory_space<vmem_shared>>) dst(%dma_wait3A_31 : memref<640x128xf32, #tpu.memory_space<hbm>>)
        tpu.yield
      }) : () -> ()
    } else {
    }
    %eq3A = arith.constant 15 : i32
    %eq3A_22 = arith.cmpi eq, %arg1, %eq3A : i32
    %convert_element_type3A_23 = arith.extui %eq3A_22 : i1 to i32
    %cond3A_24 = arith.constant 0 : i32
    %cond3A_25 = arith.cmpi ne, %convert_element_type3A_23, %cond3A_24 : i32
    scf.if %cond3A_25 {
      "tpu.region"() ({
        %run_scoped3A = tpu.sem_alloc : memref<!tpu.dma_semaphore, #tpu.memory_space<semaphore_mem>>
        %dma_start3A = arith.constant 0 : i32
        %dma_start3A_26 = tpu.memref_slice %arg5[%arg0, %mul3A_4, %dma_start3A] : memref<2x10000x128xf32, #tpu.memory_space<hbm>> -> memref<1x400x128xf32, #tpu.memory_space<hbm>>
        %dma_start3A_27 = tpu.memref_squeeze %dma_start3A_26 : memref<1x400x128xf32, #tpu.memory_space<hbm>> -> memref<400x128xf32, #tpu.memory_space<hbm>>
        %dma_start3A_28 = arith.constant 0 : i32
        %dma_start3A_29 = tpu.memref_slice %arg10[%mul3A_4, %dma_start3A_28] : memref<10240x128xf32, #tpu.memory_space<vmem_shared>> -> memref<400x128xf32, #tpu.memory_space<vmem_shared>>
        tpu.enqueue_dma source(%dma_start3A_29 : memref<400x128xf32, #tpu.memory_space<vmem_shared>>) target(%dma_start3A_27 : memref<400x128xf32, #tpu.memory_space<hbm>>) target_semaphore(%run_scoped3A : memref<!tpu.dma_semaphore, #tpu.memory_space<semaphore_mem>>)
        %dma_wait3A = arith.constant 0 : i32
        %dma_wait3A_30 = tpu.memref_slice %arg5[%arg0, %mul3A_4, %dma_wait3A] : memref<2x10000x128xf32, #tpu.memory_space<hbm>> -> memref<1x400x128xf32, #tpu.memory_space<hbm>>
        %dma_wait3A_31 = tpu.memref_squeeze %dma_wait3A_30 : memref<1x400x128xf32, #tpu.memory_space<hbm>> -> memref<400x128xf32, #tpu.memory_space<hbm>>
        %dma_wait3A_32 = arith.constant 0 : i32
        %dma_wait3A_33 = tpu.memref_slice %arg10[%mul3A_4, %dma_wait3A_32] : memref<10240x128xf32, #tpu.memory_space<vmem_shared>> -> memref<400x128xf32, #tpu.memory_space<vmem_shared>>
        tpu.wait_dma2 semaphore(%run_scoped3A : memref<!tpu.dma_semaphore, #tpu.memory_space<semaphore_mem>>) src(%dma_wait3A_33 : memref<400x128xf32, #tpu.memory_space<vmem_shared>>) dst(%dma_wait3A_31 : memref<400x128xf32, #tpu.memory_space<hbm>>)
        tpu.yield
      }) : () -> ()
    } else {
    }
    return
  }
}

module attributes {stable_mosaic.version = 14 : i64} {
  func.func @body(%arg0: i32, %arg1: memref<2x1000x128xf32, #tpu.memory_space<vmem>>, %arg2: memref<1000x128xf32, #tpu.memory_space<vmem>>) attributes {dimension_semantics = [#tpu.dimension_semantics<arbitrary>], iteration_bounds = array<i64: 10>, scalar_prefetch = 0 : i64, scratch_operands = 0 : i64, tpu.core_type = #tpu.core_type<tc>, window_params = [{transform_indices = @transform_0, window_bounds = array<i64: 2, 1000, 128>}, {transform_indices = @transform_1, window_bounds = array<i64: 1000, 128>}]} {
    %get3A = arith.constant 0 : index
    %get3A_0 = arith.constant 0 : index
    %get3A_1 = arith.constant 0 : index
    %get3A_2 = vector.load %arg1[%get3A, %get3A_0, %get3A_1] : memref<2x1000x128xf32, #tpu.memory_space<vmem>>, vector<1x1000x128xf32>
    %get3A_3 = vector.shape_cast %get3A_2 : vector<1x1000x128xf32> to vector<1000x128xf32>
    %get3A_4 = arith.constant 1 : index
    %get3A_5 = arith.constant 0 : index
    %get3A_6 = arith.constant 0 : index
    %get3A_7 = vector.load %arg1[%get3A_4, %get3A_5, %get3A_6] : memref<2x1000x128xf32, #tpu.memory_space<vmem>>, vector<1x1000x128xf32>
    %get3A_8 = vector.shape_cast %get3A_7 : vector<1x1000x128xf32> to vector<1000x128xf32>
    %add3A = arith.addf %get3A_3, %get3A_8 : vector<1000x128xf32>
    %swap3A = arith.constant 0 : index
    %swap3A_9 = arith.constant 0 : index
    %swap3A_10 = vector.load %arg2[%swap3A, %swap3A_9] : memref<1000x128xf32, #tpu.memory_space<vmem>>, vector<1000x128xf32>
    tpu.vector_store %arg2[%swap3A, %swap3A_9], %add3A {strides = array<i32>} : memref<1000x128xf32, #tpu.memory_space<vmem>>, vector<1000x128xf32>,
    return
  }
  func.func @transform_0(%arg0: i32) -> (i32, i32, i32) {
    %c0_i32 = arith.constant 0 : i32
    %c0_i32_0 = arith.constant 0 : i32
    %c0_i32_1 = arith.constant 0 : i32
    return %c0_i32, %arg0, %c0_i32_0 : i32, i32, i32
  }
  func.func @transform_1(%arg0: i32) -> (i32, i32) {
    %c0_i32 = arith.constant 0 : i32
    %c0_i32_0 = arith.constant 0 : i32
    return %arg0, %c0_i32 : i32, i32
  }
}

module attributes {stable_mosaic.version = 14 : i64} {
  func.func @body(%arg0: i32, %arg1: memref<1000x128xf32, #tpu.memory_space<vmem>>, %arg2: memref<128x128xf32, #tpu.memory_space<vmem>>, %arg3: memref<1x128xf32, #tpu.memory_space<vmem>>, %arg4: memref<1000x128xf32, #tpu.memory_space<vmem>>) attributes {dimension_semantics = [#tpu.dimension_semantics<arbitrary>], iteration_bounds = array<i64: 10>, scalar_prefetch = 0 : i64, scratch_operands = 0 : i64, tpu.core_type = #tpu.core_type<tc>, window_params = [{transform_indices = @transform_0, window_bounds = array<i64: 1000, 128>}, {pipeline_mode = #tpu.pipeline_mode<synchronous>, transform_indices = @transform_1, window_bounds = array<i64: 128, 128>}, {pipeline_mode = #tpu.pipeline_mode<synchronous>, transform_indices = @transform_2, window_bounds = array<i64: 1, 128>}, {transform_indices = @transform_3, window_bounds = array<i64: 1000, 128>}]} {
    %get3A = arith.constant 0 : index
    %get3A_0 = arith.constant 0 : index
    %get3A_1 = vector.load %arg1[%get3A, %get3A_0] : memref<1000x128xf32, #tpu.memory_space<vmem>>, vector<1000x128xf32>
    %get3A_2 = arith.constant 0 : index
    %get3A_3 = arith.constant 0 : index
    %get3A_4 = vector.load %arg2[%get3A_2, %get3A_3] : memref<128x128xf32, #tpu.memory_space<vmem>>, vector<128x128xf32>
    %dot_general3A = arith.constant dense<0.000000e+00> : vector<1000x128xf32>
    %dot_general3A_5 = tpu.matmul %get3A_1, %get3A_4, %dot_general3A {dimension_numbers = #tpu.dot_dimension_numbers<[1], [0], [0], [1], [0, 0, 1, 1], [], []>, transpose_lhs_hint = false} : vector<1000x128xf32>, vector<128x128xf32>, vector<1000x128xf32> -> vector<1000x128xf32>
    %get3A_6 = arith.constant 0 : index
    %get3A_7 = arith.constant 0 : index
    %get3A_8 = vector.load %arg3[%get3A_6, %get3A_7] : memref<1x128xf32, #tpu.memory_space<vmem>>, vector<1x128xf32>
    %add3A = vector.broadcast %get3A_8 : vector<1x128xf32> to vector<1000x128xf32>
    %add3A_9 = arith.addf %dot_general3A_5, %add3A : vector<1000x128xf32>
    %swap3A = arith.constant 0 : index
    %swap3A_10 = arith.constant 0 : index
    %swap3A_11 = vector.load %arg4[%swap3A, %swap3A_10] : memref<1000x128xf32, #tpu.memory_space<vmem>>, vector<1000x128xf32>
    tpu.vector_store %arg4[%swap3A, %swap3A_10], %add3A_9 {strides = array<i32>} : memref<1000x128xf32, #tpu.memory_space<vmem>>, vector<1000x128xf32>,
    return
  }
  func.func @transform_0(%arg0: i32) -> (i32, i32) {
    %c0_i32 = arith.constant 0 : i32
    %c0_i32_0 = arith.constant 0 : i32
    return %arg0, %c0_i32 : i32, i32
  }
  func.func @transform_1(%arg0: i32) -> (i32, i32) {
    %c0_i32 = arith.constant 0 : i32
    %c0_i32_0 = arith.constant 0 : i32
    %c0_i32_1 = arith.constant 0 : i32
    return %c0_i32, %c0_i32_0 : i32, i32
  }
  func.func @transform_2(%arg0: i32) -> (i32, i32) {
    %c0_i32 = arith.constant 0 : i32
    %c0_i32_0 = arith.constant 0 : i32
    %c0_i32_1 = arith.constant 0 : i32
    return %c0_i32, %c0_i32_0 : i32, i32
  }
  func.func @transform_3(%arg0: i32) -> (i32, i32) {
    %c0_i32 = arith.constant 0 : i32
    %c0_i32_0 = arith.constant 0 : i32
    return %arg0, %c0_i32 : i32, i32
  }
}

module attributes {stable_mosaic.version = 14 : i64} {
  func.func @body(%arg0: i32, %arg1: memref<2x1000x128xf32, #tpu.memory_space<vmem>>, %arg2: memref<128x128xf32, #tpu.memory_space<vmem>>, %arg3: memref<1x128xf32, #tpu.memory_space<vmem>>, %arg4: memref<1000x128xf32, #tpu.memory_space<vmem>>) attributes {dimension_semantics = [#tpu.dimension_semantics<arbitrary>], iteration_bounds = array<i64: 10>, scalar_prefetch = 0 : i64, scratch_operands = 0 : i64, tpu.core_type = #tpu.core_type<tc>, window_params = [{transform_indices = @transform_0, window_bounds = array<i64: 2, 1000, 128>}, {pipeline_mode = #tpu.pipeline_mode<synchronous>, transform_indices = @transform_1, window_bounds = array<i64: 128, 128>}, {pipeline_mode = #tpu.pipeline_mode<synchronous>, transform_indices = @transform_2, window_bounds = array<i64: 1, 128>}, {transform_indices = @transform_3, window_bounds = array<i64: 1000, 128>}]} {
    %get3A = arith.constant 0 : index
    %get3A_0 = arith.constant 0 : index
    %get3A_1 = arith.constant 0 : index
    %get3A_2 = vector.load %arg1[%get3A, %get3A_0, %get3A_1] : memref<2x1000x128xf32, #tpu.memory_space<vmem>>, vector<1x1000x128xf32>
    %get3A_3 = vector.shape_cast %get3A_2 : vector<1x1000x128xf32> to vector<1000x128xf32>
    %get3A_4 = arith.constant 1 : index
    %get3A_5 = arith.constant 0 : index
    %get3A_6 = arith.constant 0 : index
    %get3A_7 = vector.load %arg1[%get3A_4, %get3A_5, %get3A_6] : memref<2x1000x128xf32, #tpu.memory_space<vmem>>, vector<1x1000x128xf32>
    %get3A_8 = vector.shape_cast %get3A_7 : vector<1x1000x128xf32> to vector<1000x128xf32>
    %add3A = arith.addf %get3A_3, %get3A_8 : vector<1000x128xf32>
    %get3A_9 = arith.constant 0 : index
    %get3A_10 = arith.constant 0 : index
    %get3A_11 = vector.load %arg2[%get3A_9, %get3A_10] : memref<128x128xf32, #tpu.memory_space<vmem>>, vector<128x128xf32>
    %dot_general3A = arith.constant dense<0.000000e+00> : vector<1000x128xf32>
    %dot_general3A_12 = tpu.matmul %add3A, %get3A_11, %dot_general3A {dimension_numbers = #tpu.dot_dimension_numbers<[1], [0], [0], [1], [0, 0, 1, 1], [], []>, transpose_lhs_hint = false} : vector<1000x128xf32>, vector<128x128xf32>, vector<1000x128xf32> -> vector<1000x128xf32>
    %get3A_13 = arith.constant 0 : index
    %get3A_14 = arith.constant 0 : index
    %get3A_15 = vector.load %arg3[%get3A_13, %get3A_14] : memref<1x128xf32, #tpu.memory_space<vmem>>, vector<1x128xf32>
    %add3A_16 = vector.broadcast %get3A_15 : vector<1x128xf32> to vector<1000x128xf32>
    %add3A_17 = arith.addf %dot_general3A_12, %add3A_16 : vector<1000x128xf32>
    %swap3A = arith.constant 0 : index
    %swap3A_18 = arith.constant 0 : index
    %swap3A_19 = vector.load %arg4[%swap3A, %swap3A_18] : memref<1000x128xf32, #tpu.memory_space<vmem>>, vector<1000x128xf32>
    tpu.vector_store %arg4[%swap3A, %swap3A_18], %add3A_17 {strides = array<i32>} : memref<1000x128xf32, #tpu.memory_space<vmem>>, vector<1000x128xf32>,
    return
  }
  func.func @transform_0(%arg0: i32) -> (i32, i32, i32) {
    %c0_i32 = arith.constant 0 : i32
    %c0_i32_0 = arith.constant 0 : i32
    %c0_i32_1 = arith.constant 0 : i32
    return %c0_i32, %arg0, %c0_i32_0 : i32, i32, i32
  }
  func.func @transform_1(%arg0: i32) -> (i32, i32) {
    %c0_i32 = arith.constant 0 : i32
    %c0_i32_0 = arith.constant 0 : i32
    %c0_i32_1 = arith.constant 0 : i32
    return %c0_i32, %c0_i32_0 : i32, i32
  }
  func.func @transform_2(%arg0: i32) -> (i32, i32) {
    %c0_i32 = arith.constant 0 : i32
    %c0_i32_0 = arith.constant 0 : i32
    %c0_i32_1 = arith.constant 0 : i32
    return %c0_i32, %c0_i32_0 : i32, i32
  }
  func.func @transform_3(%arg0: i32) -> (i32, i32) {
    %c0_i32 = arith.constant 0 : i32
    %c0_i32_0 = arith.constant 0 : i32
    return %arg0, %c0_i32 : i32, i32
  }
}

</mosaic_0001>

<sc_bundles>
// kernel: kernel.11.cloned.1.call-start
scs
__scs_entry_jumppad:
0x0: {  	(pc) =	sbr.rel $0x88, $3  }
0x1: {  	(tag) =	ssettag $0x0;
	lr =	simm.s32 $0x1  }
0x2: {  	[smem:$0x3F99] =	sst lr;
	_ =	strace $0xD0000000  }
0x3: {  	_ = 	snop  }
0x4: {  	_ = 	snop  }
0x5: {  	_ = 	snop  }
0x6: {  	_ = 	snop  }
0x7: {  	_ = 	snop  }
__scs_overlays_trampoline_lowered:
0x8: {  	[smem:$0x3FA8] =	sst s0  }
0x9: {  	[smem:$0x3FA9] =	sst s1  }
0xa: {  	[smem:$0x3FAA] =	sst s2  }
0xb: {  	[smem:$0x3FAB] =	sst s3  }
0xc: {  	[smem:$0x3FAC] =	sst s4  }
0xd: {  	[smem:$0x3FAD] =	sst s5  }
0xe: {  	[smem:$0x3FAE] =	sst s6  }
0xf: {  	[smem:$0x3FAF] =	sst s7  }
0x10: {  	[smem:$0x3FB0] =	sst s8  }
0x11: {  	[smem:$0x3FB1] =	sst s9;
	s0 =	simm.s32 @!p0 $0x0  }
0x12: {  	s1 =	sld [smem:$0x3F97];
	s0 =	simm.s32 @p0 $0x1  }
0x13: {  	[smem:$0x3FB2] =	sst s0;
	s0 =	simm.s32 @!p1 $0x0  }
0x14: {  	s2 =	sld [smem:$0x3F96];
	s0 =	simm.s32 @p1 $0x1  }
0x15: {  	[smem:$0x3FB3] =	sst s0;
	s0 =	simm.s32 @!p2 $0x0  }
0x16: {  	s3 =	sld [smem:$0x3FDB];
	s0 =	simm.s32 @p2 $0x1  }
0x17: {  	s4 =	simm.s32 $0x1BF5;
	[smem:$0x3FB5] =	sst s0  }
0x18: {  	s0 =	sld [smem:$0x3F98];
	_ =	swait.ge [sflag:s4], $0x0  }
0x19: {  	s7 =	sld [smem:$0x3F99]  }
0x1a: {  	s8 =	sadd.s32 $0xFFFFE003, lr  }
0x1b: {  	s9 =	sadd.s32 $0xFFFFFEF7, lr;
	s5 =	simm.s32 $0xFFFFFFFF;
	p2 =	slt.u32 s8, $0xFFFFF086  }
0x1c: {  	p1 =	slt.u32 s9, $0xF7A;
	s5 =	simm.s32 @!p2 $0x0  }
0x1d: {  	s5 =	simm.s32 @p1 $0x1;
	p0 =	seq.s32 s7, s2  }
0x1e: {  	s7 =	smul.u32 @!p0 $0xF7A, s2;
	p2 =	seq.s32 @!p0 s5, $0x0  }
0x1f: {  	s9 =	smul.u32 $0xF7A, s1;
	s8 =	simm.s32 @!p0 $0x1BF5;
	p2 =	por !p2, p0  }
0x20: {  	[sflag:s8] =	ssyncset.s32 @!p0 $0xFFFFF086;
	s6 =	sadd.s32 @!p0 s3, s7;
	s7 =	simm.s32 @!p0 $0x108  }
0x21: {  	s3 =	sadd.s32 s3, s9;
	s6 =	sadd.s32 @!p0 $0x88, s6;
	s7 =	simm.s32 @p2 $0x1082  }
0x22: {  	[simem:s7], [sflag:s8] =	dma.local @!p0 [hbm:s6], $0xF7A  }
0x23: {  	s9 =	sor.u32 $0xD0000000, s2;
	s6 =	simm.s32 $0x108;
	_ =	swait.ge @!p0 [sflag:s8], $0x0  }
0x24: {  	s3 =	sadd.s32 $0x88, s3;
	s6 =	simm.s32 @!p1 $0x1082;
	[sflag:s4] =	ssyncset.s32 $0xFFFFF086  }
0x25: {  	[simem:s6], [sflag:s4] =	dma.local [hbm:s3], $0xF7A  }
0x26: {  	[smem:$0x3F99] =	sst s1;
	(tag) =	ssettag s2;
	_ =	strace s9  }
0x27: {  	s1 =	sld [smem:$0x3FA9]  }
0x28: {  	s2 =	sld [smem:$0x3FAA]  }
0x29: {  	s4 =	sld [smem:$0x3FAC]  }
0x2a: {  	p0 =	seq.s32 s5, $0x0;
	s5 =	sld [smem:$0x3FAD]  }
0x2b: {  	s6 =	sld [smem:$0x3FAE]  }
0x2c: {  	s7 =	sld [smem:$0x3FAF]  }
0x2d: {  	s3 =	simm.s32 $0x108;
	s8 =	sld [smem:$0x3FB0]  }
0x2e: {  	s3 =	simm.s32 @!p0 $0x1082;
	s9 =	sld [smem:$0x3FB1]  }
0x2f: {  	lr =	sadd.s32 s0, s3;
	s0 =	sld [smem:$0x3FA8]  }
0x30: {  	s3 =	sld [smem:$0x3FAB]  }
0x31: {  	[smem:$0x3FB4] =	sst s10  }
0x32: {  	s10 =	sld [smem:$0x3FB2];
	_ =	sdelay $0x3  }
0x33: {  	p0 =	seq.s32 s10, $0x1;
	s10 =	sld [smem:$0x3FB4];
	_ =	sdelay $0x3  }
0x34: {  	[smem:$0x3FB4] =	sst s10  }
0x35: {  	s10 =	sld [smem:$0x3FB3];
	_ =	sdelay $0x3  }
0x36: {  	p1 =	seq.s32 s10, $0x1;
	s10 =	sld [smem:$0x3FB4];
	_ =	sdelay $0x3  }
0x37: {  	[smem:$0x3FB4] =	sst s10  }
0x38: {  	s10 =	sld [smem:$0x3FB5]  }
0x39: {  	_ = 	snop;
	(pc) =	sbr.ind lr, $3  }
0x3a: {  	_ = 	snop  }
0x3b: {  	_ = 	snop  }
0x3c: {  	p2 =	seq.s32 s10, $0x1;
	s10 =	sld [smem:$0x3FB4]  }
0x3d: {  	_ =	shalt  }
0x3e: {  	_ =	shalt  }
0x3f: {  	_ =	shalt  }
0x40: {  	_ =	shalt  }
0x41: {  	_ =	shalt  }
0x42: {  	_ =	shalt  }
0x43: {  	_ =	shalt  }
0x44: {  	_ =	shalt  }
0x45: {  	_ =	shalt  }
0x46: {  	_ =	shalt  }
0x47: {  	_ =	shalt  }
0x48: {  	_ =	shalt  }
0x49: {  	_ =	shalt  }
0x4a: {  	_ =	shalt  }
0x4b: {  	_ =	shalt  }
0x4c: {  	_ =	shalt  }
0x4d: {  	_ =	shalt  }
0x4e: {  	_ =	shalt  }
0x4f: {  	_ =	shalt  }
0x50: {  	_ =	shalt  }
0x51: {  	_ =	shalt  }
0x52: {  	_ =	shalt  }
0x53: {  	_ =	shalt  }
0x54: {  	_ =	shalt  }
0x55: {  	_ =	shalt  }
0x56: {  	_ =	shalt  }
0x57: {  	_ =	shalt  }
0x58: {  	_ =	shalt  }
0x59: {  	_ =	shalt  }
0x5a: {  	_ =	shalt  }
0x5b: {  	_ =	shalt  }
0x5c: {  	_ =	shalt  }
0x5d: {  	_ =	shalt  }
0x5e: {  	_ =	shalt  }
0x5f: {  	_ =	shalt  }
0x60: {  	_ =	shalt  }
0x61: {  	_ =	shalt  }
0x62: {  	_ =	shalt  }
0x63: {  	_ =	shalt  }
0x64: {  	_ =	shalt  }
0x65: {  	_ =	shalt  }
0x66: {  	_ =	shalt  }
0x67: {  	_ =	shalt  }
0x68: {  	_ =	shalt  }
0x69: {  	_ =	shalt  }
0x6a: {  	_ =	shalt  }
0x6b: {  	_ =	shalt  }
0x6c: {  	_ =	shalt  }
0x6d: {  	_ =	shalt  }
0x6e: {  	_ =	shalt  }
0x6f: {  	_ =	shalt  }
0x70: {  	_ =	shalt  }
0x71: {  	_ =	shalt  }
0x72: {  	_ =	shalt  }
0x73: {  	_ =	shalt  }
0x74: {  	_ =	shalt  }
0x75: {  	_ =	shalt  }
0x76: {  	_ =	shalt  }
0x77: {  	_ =	shalt  }
0x78: {  	_ =	shalt  }
0x79: {  	_ =	shalt  }
0x7a: {  	_ =	shalt  }
0x7b: {  	_ =	shalt  }
0x7c: {  	_ =	shalt  }
0x7d: {  	_ =	shalt  }
0x7e: {  	_ =	shalt  }
0x7f: {  	_ =	shalt  }
0x80: {  	_ =	shalt  }
0x81: {  	_ =	shalt  }
0x82: {  	_ =	shalt  }
0x83: {  	_ =	shalt  }
0x84: {  	_ =	shalt  }
0x85: {  	_ =	shalt  }
0x86: {  	_ =	shalt  }
0x87: {  	_ =	shalt  }
.Lfunc_end0:
.L_simem_size_0:
called_computation.1_lowered:
.L_overlay_start_0:
0x88: {  	s2 =	sld [smem:$0x3FD9]  }
0x89: {  	s3 =	sld [smem:$0x3FFE];
	_ =	sdelay $0x1  }
0x8a: {  	s1 =	srdreg.scid  }
0x8b: {  	s0 =	sand.u32 $0x1, s1  }
0x8c: {  	s17 =	sshll.u32 s0, $0xA;
	s2 =	sadd.s32 s3, s2  }
0x8d: {  	s2 =	sadd.s32 s2, s17  }
0x8e: {  	[smem:$0x3FC0] =	sst s2  }
0x8f: {  	_ = 	snop  }
0x90: {  	s2 =	sld [smem:$0x3FD0];
	(tm) =	ssettm $0x1  }
0x91: {  	s18 =	sld [smem:$0x3FFB];
	_ =	sdelay $0x3  }
0x92: {  	_ =	strace s18  }
0x93: {  	s3 =	sld [smem:$0x3FFC];
	_ =	sdelay $0x3  }
0x94: {  	_ =	strace s3  }
0x95: {  	s3 =	sld [smem:$0x3FFD];
	_ =	sdelay $0x3  }
0x96: {  	_ =	strace s3  }
0x97: {  	_ =	strace $0x8FFFFFFF  }
0x98: {  	s19 =	sld [smem:$0x3FDB];
	_ =	sdelay $0x1  }
0x99: {  	s4 =	simm.s32 $_scs_section_size  }
0x9a: {  	s5 =	simm.s32 $_size__tile_overlayer_lowered;
	s6 =	simm.s32 $_tile_overlayer_lowered  }
0x9b: {  	s22 =	simm.s32 $0x1BFF;
	s21 =	sshll.u32 s6, $0x1;
	s3 =	sadd.s32 s4, s19  }
0x9c: {  	s7 =	simm.s32 $0x0;
	s20 =	sshll.u32 s5, $0x1;
	s5 =	sadd.s32 s21, s3  }
0x9d: {  	[timem:s7], [sflag:s22] =	dma.local [hbm:s5], s20  }
0x9e: {  	_ =	swait.ge [sflag:s22], s20  }
0x9f: {  	s4 =	ssub.s32 $0x0, s20;
	[sflag:s22] =	ssyncset.done $0x0  }
0xa0: {  	[sflag:s22] =	ssyncadd.s32 s4;
	_ =	sdelay $0x1  }
0xa1: {  	s23 =	simm.s32 $0x1B8B  }
0xa2: {  	_ =	swait.ge [sflag:s23], $0x1  }
0xa3: {  	[sflag:s23] =	ssyncset.done $0x0  }
0xa4: {  	s25 =	simm.s32 $0x1B8E;
	s24 =	sld [smem:$0x3FFE];
	[sflag:s23] =	ssyncadd.s32 $0xFFFFFFFF  }
0xa5: {  	s26 =	simm.s32 $execute0_lowered;
	[smem:$0x3FD2] =	sst s25  }
0xa6: {  	s5 =	sshll.u32 s26, $0x1;
	_ =	strace $0x80000049;
	[dreg:$0x1] =	wrdreg $0xFFFFFFFF  }
0xa7: {  	s28 =	simm.s32 $_size_execute0_lowered;
	s3 =	sadd.s32 s3, s5;
	[dreg:$0x0] =	wrdreg $0x0  }
0xa8: {  	s5 =	sshll.u32 s28, $0x1;
	[dreg:$0x2] =	wrdreg s3  }
0xa9: {  	[dreg:$0x3] =	wrdreg s5  }
0xaa: {  	[dreg:$0x4] =	wrdreg $0xC0  }
0xab: {  	_ =	task [dreg:s7], $0x5FFFF  }
0xac: {  	[dreg:$0x1] =	wrdreg $0xFFFFFFFF  }
0xad: {  	[dreg:$0x0] =	wrdreg $0x60  }
0xae: {  	[dreg:$0x2] =	wrdreg s24  }
0xaf: {  	[dreg:$0x3] =	wrdreg s2  }
0xb0: {  	[dreg:$0x4] =	wrdreg $0xA8000  }
0xb1: {  	[dreg:$0x5] =	wrdreg $0x9  }
0xb2: {  	_ =	task.clear_ibuf [dreg:s7], $0x6FFFF;
	_ =	strace $0x90000049  }
0xb3: {  	s29 =	simm.s32 $0x9;
	_ =	strace $0x8000004B  }
0xb4: {  	_ =	swait.ge [sflag:s29], $0x1  }
0xb5: {  	[sflag:s29] =	ssyncadd.s32 $0xFFFFFFFF  }
0xb6: {  	_ =	strace $0x9000004B  }
0xb7: {  	_ =	sfence  }
0xb8: {  	s30 =	sld [smem:$0x0];
	_ =	sdelay $0x2  }
0xb9: {  	s31 =	sshll.u32 s1, $0xD;
	s1 =	sshrl.u32 s1, $0x2  }
0xba: {  	s3 =	sand.u32 $0x4000, s31;
	s1 =	sadd.s32 s1, s30  }
0xbb: {  	s0 =	sor.u32 s3, s0;
	s1 =	sshll.u32 s1, $0x11  }
0xbc: {  	s0 =	sor.u32 s1, s0  }
0xbd: {  	s0 =	sadd.s32 $0x8F2B, s0  }
0xbe: {  	[sflag:s0] =	ssyncadd.remote.s32 $0x1  }
0xbf: {  	_ =	sfence.sel $0xFFFF  }
0xc0: {  	[dreg:$0x0] =	wrdreg $0xFFFFFFFF;
	(pc) =	sbr.abs _section_cstart, $3  }
0xc1: {  	[dreg:$0x1] =	wrdreg $0xFFFFFFFF  }
0xc2: {  	_ =	task.clear_ibuf [dreg:s7], $0x2FFFF;
	_ =	strace $0x9FFFFFFF  }
0xc3: {  	(tm) =	ssettm $0x7FFFFFFF  }
tec
execute0_lowered:
.L_overlay_start_1:
0x0: {  	(tag) =	ssettag $0x1  }
0x1: {  	s5 =	rddreg [dreg:$0x0]  }
0x2: {  	s11 =	rddreg [dreg:$0x1]  }
0x3: {  	s1 =	rddreg [dreg:$0x2];
	s3 =	simm.s32 $0x0;
	s6 =	srdreg.scid  }
0x4: {  	s2 =	stileid.u32;
	s19 =	simm.s32 $0x1400;
	s20 =	simm.s32 $0x80  }
0x5: {  	s21 =	simm.s32 $0x1480;
	s22 =	simm.s32 $0x6800;
	s23 =	simm.s32 $0x1  }
0x6: {  	s24 =	simm.s32 $0x3;
	s25 =	simm.s32 $0x2;
	s28 =	simm.s32 $0x1300  }
0x7: {  	s29 =	simm.s32 $0x1380;
	[smem:$0x7FF] =	sst s3;
	s26 =	smul.u32 $0x50000, s2  }
0x8: {  	s4 =	sadd.s32 $0x15C00, s5;
	s8 =	sand.u32 $0x1, s6;
	s9 =	smul.u32 $0x14000, s2  }
0x9: {  	s15 =	sadd.s32 $0x1C00, s5;
	s16 =	sadd.s32 $0xBC00, s5;
	s14 =	smul.u32 $0x2800, s2  }
0xa: {  	p0 =	seq.s32 s2, $0xF;
	s30 =	ssub.s32 $0x2, s8;
	s10 =	smul.u32 $0x138800, s8  }
0xb: {  	_ =	strace $0x8000004A;
	s13 =	smul.u32 $0x28000, s8;
	s7 =	sshrl.u32 s30, $0x1  }
0xc: {  	s6 =	sshrl.u32 s26, $0x2;
	s26 =	simm.s32 $0x4;
	s12 =	ssub.s32 s30, s7  }
0xd: {  	s5 =	sadd.s32 s6, s1;
	s17 =	sadd.s32 s9, s10;
	s18 =	sshrl.u32 s10, $0x3  }
0xe: {  	s13 =	sadd.s32 s14, s13;
	s6 =	sadd.s32 $0x4000, s5;
	s7 =	sadd.s32 $0x8000, s5  }
0xf: {  	s8 =	sadd.s32 $0xC000, s5;
	s9 =	sadd.s32 $0x10000, s5;
	s17 =	sshrl.u32 s17, $0x3  }
0x10: {  	s12 =	smax.u32 s12, $0x1;
	s31 =	sshrl.u32 s13, $0x3;
	s10 =	sadd.s32 s11, s17  }
0x11: {  	s11 =	sadd.s32 s11, s18;
	s13 =	sadd.s32 s15, s31;
	s14 =	sadd.s32 s16, s31  }
0x12: {  	s17 =	sadd.s32 $0x280, s31;
	s18 =	simm.s32 $0x5;
	s11 =	sadd.s32 $0x25800, s11  }
0x13: {  	v0 =	vimm.f32 $0.0e+00;
	s15 =	sadd.s32 s15, s17;
	s16 =	sadd.s32 s16, s17;
	s17 =	simm.s32 $0x2800  }
.LBB2_1:
0x14: {  	s30 =	simm.s32 $0x0;
	s31 =	simm.s32 $0x200  }
.LBB2_2:
0x15: {  	p1 =	sne.s32 s31, $0xFE00;
	[tilespmem:s30+$0x2870] =	vst v0  }
0x16: {  	[tilespmem:s30+$0x2800] =	vst v0  }
0x17: {  	[tilespmem:s30+$0x2810] =	vst v0  }
.Ltmp0:
0x18: {  	[tilespmem:s30+$0x2820] =	vst v0;
	(pc) =	sbr.rel @p1 .LBB2_2-.Ltmp0, $4  }
0x19: {  	[tilespmem:s30+$0x2830] =	vst v0  }
0x1a: {  	[tilespmem:s30+$0x2840] =	vst v0  }
0x1b: {  	[tilespmem:s30+$0x2850] =	vst v0  }
0x1c: {  	[tilespmem:s30+$0x2860] =	vst v0;
	s30 =	sshra.s32 s31, $0x2;
	s31 =	sadd.s32 $0x200, s31  }
0x1d: {  	[tilespmem:s30+$0x2870] =	vst v0  }
0x1e: {  	[tilespmem:s30+$0x2800] =	vst v0  }
0x1f: {  	[tilespmem:s30+$0x2810] =	vst v0  }
0x20: {  	[tilespmem:s30+$0x2820] =	vst v0  }
0x21: {  	[tilespmem:s30+$0x2830] =	vst v0  }
0x22: {  	[tilespmem:s30+$0x2840] =	vst v0  }
0x23: {  	[tilespmem:s30+$0x2850] =	vst v0  }
0x24: {  	[tilespmem:s30+$0x2860] =	vst v0  }
0x25: {  	[spmem:s5] =	stream.linear.scatter [tilespmem:s17], [sflag:$0x5], $0x4000, $0x38;
	[tilespmem:$0x1E800] =	vst v63  }
0x26: {  	_ =	swait.ge [sflag:s18], $0x4000  }
0x27: {  	[sflag:s18] =	ssyncset.done $0x0  }
0x28: {  	[sflag:s18] =	ssyncadd.s32 $0xFFFFC000  }
0x29: {  	[spmem:s6] =	stream.linear.scatter [tilespmem:s17], [sflag:$0x5], $0x4000, $0x38;
	[tilespmem:$0x1E800] =	vst v63  }
0x2a: {  	_ =	swait.ge [sflag:s18], $0x4000  }
0x2b: {  	[sflag:s18] =	ssyncset.done $0x0  }
0x2c: {  	[sflag:s18] =	ssyncadd.s32 $0xFFFFC000  }
0x2d: {  	[spmem:s7] =	stream.linear.scatter [tilespmem:s17], [sflag:$0x5], $0x4000, $0x38;
	[tilespmem:$0x1E800] =	vst v63  }
0x2e: {  	_ =	swait.ge [sflag:s18], $0x4000  }
0x2f: {  	[sflag:s18] =	ssyncset.done $0x0  }
0x30: {  	[sflag:s18] =	ssyncadd.s32 $0xFFFFC000  }
0x31: {  	[spmem:s8] =	stream.linear.scatter [tilespmem:s17], [sflag:$0x5], $0x4000, $0x38;
	[tilespmem:$0x1E800] =	vst v63  }
0x32: {  	_ =	swait.ge [sflag:s18], $0x4000  }
0x33: {  	[sflag:s18] =	ssyncset.done $0x0  }
0x34: {  	[sflag:s18] =	ssyncadd.s32 $0xFFFFC000  }
0x35: {  	[spmem:s9] =	stream.linear.scatter [tilespmem:s17], [sflag:$0x5], $0x4000, $0x38;
	[tilespmem:$0x1E800] =	vst v63  }
0x36: {  	_ =	swait.ge [sflag:s18], $0x4000  }
0x37: {  	[sflag:s18] =	ssyncset.done $0x0  }
0x38: {  	[sflag:s18] =	ssyncadd.s32 $0xFFFFC000  }
0x39: {  	s30 =	simm.s32 $0x0;
	[bflag:$0x0] =	sbarrier.arrive $0xFFFF  }
0x3a: {  	[tilespmem:s30], [sflag:$0x5] =	stream.linear.gather [hbm4b:s13+s30], $0x1400, $0x38;
	[tilespmem:$0x1E800] =	vst v63  }
0x3b: {  	_ =	swait.ge [sflag:s18], $0x1400  }
0x3c: {  	[sflag:s18] =	ssyncset.done $0x0  }
0x3d: {  	[sflag:s18] =	ssyncadd.s32 $0xFFFFEC00  }
0x3e: {  	[tilespmem:s19], [sflag:$0x5] =	stream.linear.gather [hbm4b:s14+s30], $0x1400, $0x38;
	[tilespmem:$0x1E800] =	vst v63  }
0x3f: {  	_ =	swait.ge [sflag:s18], $0x1400  }
0x40: {  	[sflag:s18] =	ssyncset.done $0x0  }
0x41: {  	[sflag:s18] =	ssyncadd.s32 $0xFFFFEC00  }
0x42: {  	[tilespmem:s17], [sflag:$0x1] =	stream.indirect.gather [hbm4b:s4+s20], $0x80, s19, s20, $0xb8;
	[tilespmem:$0x1E800] =	vst v63  }
0x43: {  	_ = 	snop  }
0x44: {  	[tilespmem:s22], [sflag:$0x2] =	stream.indirect.gather [hbm4b:s4+s20], $0x80, s21, s20, $0xb8;
	[tilespmem:$0x1E800] =	vst v63  }
0x45: {  	_ =	swait.ge [sflag:s23], $0x4000  }
0x46: {  	[sflag:s23] =	ssyncset.done $0x0  }
0x47: {  	s30 =	simm.s32 $0x0;
	[sflag:s23] =	ssyncadd.s32 $0xFFFFC000  }
0x48: {  	[spmem:s1] =	stream.indirect.scatter.add.f32 [tilespmem:s17], [sflag:$0x3], $0x80, s30, s20, $0xb8;
	[tilespmem:$0x1E800] =	vst v63  }
0x49: {  	_ =	swait.ge [sflag:s24], $0x4000  }
0x4a: {  	[sflag:s24] =	ssyncset.done $0x0  }
0x4b: {  	s30 =	simm.s32 $0x1500;
	[sflag:s24] =	ssyncadd.s32 $0xFFFFC000  }
0x4c: {  	[tilespmem:s17], [sflag:$0x1] =	stream.indirect.gather [hbm4b:s4+s20], $0x80, s30, s20, $0xb8;
	[tilespmem:$0x1E800] =	vst v63  }
0x4d: {  	_ =	swait.ge [sflag:s25], $0x4000  }
0x4e: {  	[sflag:s25] =	ssyncset.done $0x0  }
0x4f: {  	s30 =	simm.s32 $0x80;
	[sflag:s25] =	ssyncadd.s32 $0xFFFFC000  }
0x50: {  	[spmem:s1] =	stream.indirect.scatter.add.f32 [tilespmem:s22], [sflag:$0x4], $0x80, s30, s20, $0xb8;
	[tilespmem:$0x1E800] =	vst v63  }
0x51: {  	_ =	swait.ge [sflag:s26], $0x4000  }
0x52: {  	[sflag:s26] =	ssyncset.done $0x0  }
0x53: {  	s31 =	simm.s32 $0x1580;
	s30 =	simm.s32 $0x400;
	[sflag:s26] =	ssyncadd.s32 $0xFFFFC000  }
.LBB2_4:
0x54: {  	[tilespmem:s22], [sflag:$0x2] =	stream.indirect.gather [hbm4b:s4+s20], $0x80, s31, s20, $0xb8;
	[tilespmem:$0x1E800] =	vst v63  }
0x55: {  	s31 =	smov.u32 s30  }
0x56: {  	p1 =	sne.s32 s30, $0x4800;
	s30 =	sadd.s32 $0x400, s30;
	_ =	swait.ge [sflag:s23], $0x4000  }
0x57: {  	[sflag:s23] =	ssyncset.done $0x0  }
0x58: {  	s31 =	sshra.s32 s31, $0x2;
	[sflag:s23] =	ssyncadd.s32 $0xFFFFC000  }
0x59: {  	[spmem:s1] =	stream.indirect.scatter.add.f32 [tilespmem:s17], [sflag:$0x3], $0x80, s31, s20, $0xb8;
	[tilespmem:$0x1E800] =	vst v63  }
0x5a: {  	_ =	swait.ge [sflag:s24], $0x4000  }
0x5b: {  	[sflag:s24] =	ssyncset.done $0x0  }
0x5c: {  	s0 =	sadd.s32 $0x1500, s31;
	[sflag:s24] =	ssyncadd.s32 $0xFFFFC000  }
0x5d: {  	[tilespmem:s17], [sflag:$0x1] =	stream.indirect.gather [hbm4b:s4+s20], $0x80, s0, s20, $0xb8;
	[tilespmem:$0x1E800] =	vst v63  }
0x5e: {  	_ =	swait.ge [sflag:s25], $0x4000  }
0x5f: {  	[sflag:s25] =	ssyncset.done $0x0  }
.Ltmp1:
0x60: {  	s0 =	sadd.s32 $0x80, s31;
	[sflag:s25] =	ssyncadd.s32 $0xFFFFC000;
	(pc) =	sbr.rel @p1 .LBB2_4-.Ltmp1, $4  }
0x61: {  	[spmem:s1] =	stream.indirect.scatter.add.f32 [tilespmem:s22], [sflag:$0x4], $0x80, s0, s20, $0xb8;
	[tilespmem:$0x1E800] =	vst v63  }
0x62: {  	_ =	swait.ge [sflag:s26], $0x4000  }
0x63: {  	[sflag:s26] =	ssyncset.done $0x0  }
0x64: {  	s31 =	sadd.s32 $0x1580, s31;
	[sflag:s26] =	ssyncadd.s32 $0xFFFFC000  }
0x65: {  	[tilespmem:s22], [sflag:$0x2] =	stream.indirect.gather [hbm4b:s4+s20], $0x80, s31, s20, $0xb8;
	[tilespmem:$0x1E800] =	vst v63  }
0x66: {  	_ =	swait.ge [sflag:s23], $0x4000  }
0x67: {  	[sflag:s23] =	ssyncset.done $0x0  }
0x68: {  	[sflag:s23] =	ssyncadd.s32 $0xFFFFC000  }
0x69: {  	[spmem:s1] =	stream.indirect.scatter.add.f32 [tilespmem:s17], [sflag:$0x3], $0x80, s28, s20, $0xb8;
	[tilespmem:$0x1E800] =	vst v63  }
0x6a: {  	_ =	swait.ge [sflag:s24], $0x4000  }
0x6b: {  	[sflag:s24] =	ssyncset.done $0x0  }
0x6c: {  	[sflag:s24] =	ssyncadd.s32 $0xFFFFC000  }
0x6d: {  	_ =	swait.ge [sflag:s25], $0x4000  }
0x6e: {  	[sflag:s25] =	ssyncset.done $0x0  }
0x6f: {  	[sflag:s25] =	ssyncadd.s32 $0xFFFFC000  }
0x70: {  	[spmem:s1] =	stream.indirect.scatter.add.f32 [tilespmem:s22], [sflag:$0x4], $0x80, s29, s20, $0xb8;
	[tilespmem:$0x1E800] =	vst v63  }
0x71: {  	_ =	swait.ge [sflag:s26], $0x4000  }
0x72: {  	[sflag:s26] =	ssyncset.done $0x0  }
0x73: {  	s0 =	simm.s32 $0x0;
	[sflag:s26] =	ssyncadd.s32 $0xFFFFC000  }
0x74: {  	[tilespmem:s0], [sflag:$0x5] =	stream.linear.gather [hbm4b:s15+s0], $0x1400, $0x38;
	[tilespmem:$0x1E800] =	vst v63  }
0x75: {  	_ =	swait.ge [sflag:s18], $0x1400  }
0x76: {  	[sflag:s18] =	ssyncset.done $0x0  }
0x77: {  	[sflag:s18] =	ssyncadd.s32 $0xFFFFEC00  }
0x78: {  	[tilespmem:s19], [sflag:$0x5] =	stream.linear.gather [hbm4b:s16+s0], $0x1400, $0x38;
	[tilespmem:$0x1E800] =	vst v63  }
0x79: {  	_ =	swait.ge [sflag:s18], $0x1400  }
0x7a: {  	[sflag:s18] =	ssyncset.done $0x0  }
0x7b: {  	[sflag:s18] =	ssyncadd.s32 $0xFFFFEC00  }
0x7c: {  	[tilespmem:s17], [sflag:$0x1] =	stream.indirect.gather [hbm4b:s4+s20], $0x80, s19, s20, $0xb8;
	[tilespmem:$0x1E800] =	vst v63  }
0x7d: {  	_ = 	snop  }
0x7e: {  	[tilespmem:s22], [sflag:$0x2] =	stream.indirect.gather [hbm4b:s4+s20], $0x80, s21, s20, $0xb8;
	[tilespmem:$0x1E800] =	vst v63  }
0x7f: {  	_ =	swait.ge [sflag:s23], $0x4000  }
0x80: {  	[sflag:s23] =	ssyncset.done $0x0  }
0x81: {  	s0 =	simm.s32 $0x0;
	[sflag:s23] =	ssyncadd.s32 $0xFFFFC000  }
0x82: {  	[spmem:s1] =	stream.indirect.scatter.add.f32 [tilespmem:s17], [sflag:$0x3], $0x80, s0, s20, $0xb8;
	[tilespmem:$0x1E800] =	vst v63  }
0x83: {  	_ =	swait.ge [sflag:s24], $0x4000  }
0x84: {  	[sflag:s24] =	ssyncset.done $0x0  }
0x85: {  	s0 =	simm.s32 $0x1500;
	[sflag:s24] =	ssyncadd.s32 $0xFFFFC000  }
0x86: {  	[tilespmem:s17], [sflag:$0x1] =	stream.indirect.gather [hbm4b:s4+s20], $0x80, s0, s20, $0xb8;
	[tilespmem:$0x1E800] =	vst v63  }
0x87: {  	_ =	swait.ge [sflag:s25], $0x4000  }
0x88: {  	[sflag:s25] =	ssyncset.done $0x0  }
0x89: {  	s0 =	simm.s32 $0x80;
	[sflag:s25] =	ssyncadd.s32 $0xFFFFC000  }
0x8a: {  	[spmem:s1] =	stream.indirect.scatter.add.f32 [tilespmem:s22], [sflag:$0x4], $0x80, s0, s20, $0xb8;
	[tilespmem:$0x1E800] =	vst v63  }
0x8b: {  	_ =	swait.ge [sflag:s26], $0x4000  }
0x8c: {  	[sflag:s26] =	ssyncset.done $0x0  }
0x8d: {  	s30 =	simm.s32 $0x400;
	s31 =	simm.s32 $0x1580;
	[sflag:s26] =	ssyncadd.s32 $0xFFFFC000  }
.LBB2_6:
0x8e: {  	[tilespmem:s22], [sflag:$0x2] =	stream.indirect.gather [hbm4b:s4+s20], $0x80, s31, s20, $0xb8;
	[tilespmem:$0x1E800] =	vst v63  }
0x8f: {  	s0 =	smov.u32 s30  }
0x90: {  	p1 =	sne.s32 s30, $0x4800;
	s30 =	sadd.s32 $0x400, s30;
	_ =	swait.ge [sflag:s23], $0x4000  }
0x91: {  	[sflag:s23] =	ssyncset.done $0x0  }
0x92: {  	s0 =	sshra.s32 s0, $0x2;
	[sflag:s23] =	ssyncadd.s32 $0xFFFFC000  }
0x93: {  	[spmem:s1] =	stream.indirect.scatter.add.f32 [tilespmem:s17], [sflag:$0x3], $0x80, s0, s20, $0xb8;
	[tilespmem:$0x1E800] =	vst v63  }
0x94: {  	_ =	swait.ge [sflag:s24], $0x4000  }
0x95: {  	[sflag:s24] =	ssyncset.done $0x0  }
0x96: {  	s31 =	sadd.s32 $0x1500, s0;
	[sflag:s24] =	ssyncadd.s32 $0xFFFFC000  }
0x97: {  	[tilespmem:s17], [sflag:$0x1] =	stream.indirect.gather [hbm4b:s4+s20], $0x80, s31, s20, $0xb8;
	[tilespmem:$0x1E800] =	vst v63  }
0x98: {  	_ =	swait.ge [sflag:s25], $0x4000  }
0x99: {  	[sflag:s25] =	ssyncset.done $0x0  }
.Ltmp2:
0x9a: {  	s31 =	sadd.s32 $0x80, s0;
	[sflag:s25] =	ssyncadd.s32 $0xFFFFC000;
	(pc) =	sbr.rel @p1 .LBB2_6-.Ltmp2, $4  }
0x9b: {  	[spmem:s1] =	stream.indirect.scatter.add.f32 [tilespmem:s22], [sflag:$0x4], $0x80, s31, s20, $0xb8;
	[tilespmem:$0x1E800] =	vst v63  }
0x9c: {  	_ =	swait.ge [sflag:s26], $0x4000  }
0x9d: {  	[sflag:s26] =	ssyncset.done $0x0  }
0x9e: {  	s31 =	sadd.s32 $0x1580, s0;
	[sflag:s26] =	ssyncadd.s32 $0xFFFFC000  }
0x9f: {  	[tilespmem:s22], [sflag:$0x2] =	stream.indirect.gather [hbm4b:s4+s20], $0x80, s31, s20, $0xb8;
	[tilespmem:$0x1E800] =	vst v63  }
0xa0: {  	_ =	swait.ge [sflag:s23], $0x4000  }
0xa1: {  	[sflag:s23] =	ssyncset.done $0x0  }
0xa2: {  	[sflag:s23] =	ssyncadd.s32 $0xFFFFC000  }
0xa3: {  	[spmem:s1] =	stream.indirect.scatter.add.f32 [tilespmem:s17], [sflag:$0x3], $0x80, s28, s20, $0xb8;
	[tilespmem:$0x1E800] =	vst v63  }
0xa4: {  	_ =	swait.ge [sflag:s24], $0x4000  }
0xa5: {  	[sflag:s24] =	ssyncset.done $0x0  }
0xa6: {  	[sflag:s24] =	ssyncadd.s32 $0xFFFFC000  }
0xa7: {  	_ =	swait.ge [sflag:s25], $0x4000  }
0xa8: {  	[sflag:s25] =	ssyncset.done $0x0  }
0xa9: {  	[sflag:s25] =	ssyncadd.s32 $0xFFFFC000  }
0xaa: {  	[spmem:s1] =	stream.indirect.scatter.add.f32 [tilespmem:s22], [sflag:$0x4], $0x80, s29, s20, $0xb8;
	[tilespmem:$0x1E800] =	vst v63  }
0xab: {  	_ =	swait.ge [sflag:s26], $0x4000  }
0xac: {  	[sflag:s26] =	ssyncset.done $0x0  }
0xad: {  	[sflag:s26] =	ssyncadd.s32 $0xFFFFC000  }
0xae: {  	s0 =	sshrl.u32 @p0 s5, $0x3;
	s30 =	simm.s32 @p0 $0x1FC5;
	[bflag:$0x0] =	sbarrier.arrive $0xFFFF  }
0xaf: {  	[hbm:s11], [sflag:s30] =	dma.local @p0 [spmem:s0], $0x1900  }
0xb0: {  	s0 =	simm.s32 @p0 $0x5  }
0xb1: {  	s3 =	sadd.s32 $0x1, s3;
	_ =	swait.ge @p0 [sflag:s0], $0x1900  }
0xb2: {  	p1 =	sne.s32 s3, s12;
	s30 =	sshll.u32 @!p0 s2, $0x6;
	[sflag:s0] =	ssyncset.done @p0 $0x0  }
0xb3: {  	[sflag:s0] =	ssyncadd.s32 @p0 $0xFFFFE700;
	s0 =	sor.u32 @!p0 $0x1C05, s30;
	s30 =	sshrl.u32 @!p0 s5, $0x3  }
0xb4: {  	[hbm:s10], [sflag:s0] =	dma.local @!p0 [spmem:s30], $0x2800  }
.Ltmp3:
0xb5: {  	_ = 	snop;
	(pc) =	sbr.rel @p1 .LBB2_1-.Ltmp3, $4  }
0xb6: {  	s0 =	simm.s32 @!p0 $0x5  }
0xb7: {  	_ =	swait.ge @!p0 [sflag:s0], $0x2800  }
0xb8: {  	[sflag:s0] =	ssyncset.done @!p0 $0x0  }
0xb9: {  	[sflag:s0] =	ssyncadd.s32 @!p0 $0xFFFFD800  }
0xba: {  	_ =	sfence.sel $0x180000  }
0xbb: {  	[bflag:$0x0] =	sbarrier.arrive $0xFFFF  }
0xbc: {  	_ =	strace $0x9000004A  }
0xbd: {  	[bflag:$0x2] =	sbarrier.arrive $0xFFFF  }
0xbe: {  	p0 =	sne.s32 s2, $0x0;
	s0 =	rddreg [dreg:$0x3]  }
0xbf: {  	s0 =	sadd.s32 @!p0 $0x100000, s0  }
0xc0: {  	[sflag:s0] =	ssyncadd.tile.s32 @!p0 $0x1;
	_ =	shalt  }
.Lfunc_end2:
_tile_overlayer_lowered:
.L_overlay_start_2:
0xc1: {  	(tag) =	ssettag $0x2  }
0xc2: {  	s0 =	rddreg [dreg:$0x0];
	s2 =	stileid.u32  }
0xc3: {  	s1 =	rddreg [dreg:$0x1];
	p0 =	sne.s32 s2, $0x0  }
0xc4: {  	s3 =	rddreg [dreg:$0x2];
	[bflag:$0x3] =	sbarrier.arrive $0xFFFF;
	s2 =	simm.s32 @!p0 $0x1C05  }
0xc5: {  	[timem:s3], [sflag:s2] =	dma.local @!p0 [hbm:s0], s1  }
0xc6: {  	s0 =	simm.s32 @!p0 $0x5  }
0xc7: {  	_ =	swait.ge @!p0 [sflag:s0], s1  }
0xc8: {  	s1 =	ssub.s32 @!p0 $0x0, s1;
	[sflag:s0] =	ssyncset.done @!p0 $0x0  }
0xc9: {  	[sflag:s0] =	ssyncadd.s32 @!p0 s1  }
0xca: {  	[bflag:$0x3] =	sbarrier.arrive $0xFFFF  }
0xcb: {  	_ =	shalt  }

// kernel: kernel.8.cloned.1.call-start
scs
__scs_entry_jumppad:
0x0: {  	(pc) =	sbr.rel $0x88, $3  }
0x1: {  	(tag) =	ssettag $0x0;
	lr =	simm.s32 $0x1  }
0x2: {  	[smem:$0x3F99] =	sst lr;
	_ =	strace $0xD0000000  }
0x3: {  	_ = 	snop  }
0x4: {  	_ = 	snop  }
0x5: {  	_ = 	snop  }
0x6: {  	_ = 	snop  }
0x7: {  	_ = 	snop  }
__scs_overlays_trampoline_lowered:
0x8: {  	[smem:$0x3FA8] =	sst s0  }
0x9: {  	[smem:$0x3FA9] =	sst s1  }
0xa: {  	[smem:$0x3FAA] =	sst s2  }
0xb: {  	[smem:$0x3FAB] =	sst s3  }
0xc: {  	[smem:$0x3FAC] =	sst s4  }
0xd: {  	[smem:$0x3FAD] =	sst s5  }
0xe: {  	[smem:$0x3FAE] =	sst s6  }
0xf: {  	[smem:$0x3FAF] =	sst s7  }
0x10: {  	[smem:$0x3FB0] =	sst s8  }
0x11: {  	[smem:$0x3FB1] =	sst s9;
	s0 =	simm.s32 @!p0 $0x0  }
0x12: {  	s1 =	sld [smem:$0x3F97];
	s0 =	simm.s32 @p0 $0x1  }
0x13: {  	[smem:$0x3FB2] =	sst s0;
	s0 =	simm.s32 @!p1 $0x0  }
0x14: {  	s2 =	sld [smem:$0x3F96];
	s0 =	simm.s32 @p1 $0x1  }
0x15: {  	[smem:$0x3FB3] =	sst s0;
	s0 =	simm.s32 @!p2 $0x0  }
0x16: {  	s3 =	sld [smem:$0x3FDB];
	s0 =	simm.s32 @p2 $0x1  }
0x17: {  	s4 =	simm.s32 $0x1BF5;
	[smem:$0x3FB5] =	sst s0  }
0x18: {  	s0 =	sld [smem:$0x3F98];
	_ =	swait.ge [sflag:s4], $0x0  }
0x19: {  	s7 =	sld [smem:$0x3F99]  }
0x1a: {  	s8 =	sadd.s32 $0xFFFFE003, lr  }
0x1b: {  	s9 =	sadd.s32 $0xFFFFFEF7, lr;
	s5 =	simm.s32 $0xFFFFFFFF;
	p2 =	slt.u32 s8, $0xFFFFF086  }
0x1c: {  	p1 =	slt.u32 s9, $0xF7A;
	s5 =	simm.s32 @!p2 $0x0  }
0x1d: {  	s5 =	simm.s32 @p1 $0x1;
	p0 =	seq.s32 s7, s2  }
0x1e: {  	s7 =	smul.u32 @!p0 $0xF7A, s2;
	p2 =	seq.s32 @!p0 s5, $0x0  }
0x1f: {  	s9 =	smul.u32 $0xF7A, s1;
	s8 =	simm.s32 @!p0 $0x1BF5;
	p2 =	por !p2, p0  }
0x20: {  	[sflag:s8] =	ssyncset.s32 @!p0 $0xFFFFF086;
	s6 =	sadd.s32 @!p0 s3, s7;
	s7 =	simm.s32 @!p0 $0x108  }
0x21: {  	s3 =	sadd.s32 s3, s9;
	s6 =	sadd.s32 @!p0 $0x88, s6;
	s7 =	simm.s32 @p2 $0x1082  }
0x22: {  	[simem:s7], [sflag:s8] =	dma.local @!p0 [hbm:s6], $0xF7A  }
0x23: {  	s9 =	sor.u32 $0xD0000000, s2;
	s6 =	simm.s32 $0x108;
	_ =	swait.ge @!p0 [sflag:s8], $0x0  }
0x24: {  	s3 =	sadd.s32 $0x88, s3;
	s6 =	simm.s32 @!p1 $0x1082;
	[sflag:s4] =	ssyncset.s32 $0xFFFFF086  }
0x25: {  	[simem:s6], [sflag:s4] =	dma.local [hbm:s3], $0xF7A  }
0x26: {  	[smem:$0x3F99] =	sst s1;
	(tag) =	ssettag s2;
	_ =	strace s9  }
0x27: {  	s1 =	sld [smem:$0x3FA9]  }
0x28: {  	s2 =	sld [smem:$0x3FAA]  }
0x29: {  	s4 =	sld [smem:$0x3FAC]  }
0x2a: {  	p0 =	seq.s32 s5, $0x0;
	s5 =	sld [smem:$0x3FAD]  }
0x2b: {  	s6 =	sld [smem:$0x3FAE]  }
0x2c: {  	s7 =	sld [smem:$0x3FAF]  }
0x2d: {  	s3 =	simm.s32 $0x108;
	s8 =	sld [smem:$0x3FB0]  }
0x2e: {  	s3 =	simm.s32 @!p0 $0x1082;
	s9 =	sld [smem:$0x3FB1]  }
0x2f: {  	lr =	sadd.s32 s0, s3;
	s0 =	sld [smem:$0x3FA8]  }
0x30: {  	s3 =	sld [smem:$0x3FAB]  }
0x31: {  	[smem:$0x3FB4] =	sst s10  }
0x32: {  	s10 =	sld [smem:$0x3FB2];
	_ =	sdelay $0x3  }
0x33: {  	p0 =	seq.s32 s10, $0x1;
	s10 =	sld [smem:$0x3FB4];
	_ =	sdelay $0x3  }
0x34: {  	[smem:$0x3FB4] =	sst s10  }
0x35: {  	s10 =	sld [smem:$0x3FB3];
	_ =	sdelay $0x3  }
0x36: {  	p1 =	seq.s32 s10, $0x1;
	s10 =	sld [smem:$0x3FB4];
	_ =	sdelay $0x3  }
0x37: {  	[smem:$0x3FB4] =	sst s10  }
0x38: {  	s10 =	sld [smem:$0x3FB5]  }
0x39: {  	_ = 	snop;
	(pc) =	sbr.ind lr, $3  }
0x3a: {  	_ = 	snop  }
0x3b: {  	_ = 	snop  }
0x3c: {  	p2 =	seq.s32 s10, $0x1;
	s10 =	sld [smem:$0x3FB4]  }
0x3d: {  	_ =	shalt  }
0x3e: {  	_ =	shalt  }
0x3f: {  	_ =	shalt  }
0x40: {  	_ =	shalt  }
0x41: {  	_ =	shalt  }
0x42: {  	_ =	shalt  }
0x43: {  	_ =	shalt  }
0x44: {  	_ =	shalt  }
0x45: {  	_ =	shalt  }
0x46: {  	_ =	shalt  }
0x47: {  	_ =	shalt  }
0x48: {  	_ =	shalt  }
0x49: {  	_ =	shalt  }
0x4a: {  	_ =	shalt  }
0x4b: {  	_ =	shalt  }
0x4c: {  	_ =	shalt  }
0x4d: {  	_ =	shalt  }
0x4e: {  	_ =	shalt  }
0x4f: {  	_ =	shalt  }
0x50: {  	_ =	shalt  }
0x51: {  	_ =	shalt  }
0x52: {  	_ =	shalt  }
0x53: {  	_ =	shalt  }
0x54: {  	_ =	shalt  }
0x55: {  	_ =	shalt  }
0x56: {  	_ =	shalt  }
0x57: {  	_ =	shalt  }
0x58: {  	_ =	shalt  }
0x59: {  	_ =	shalt  }
0x5a: {  	_ =	shalt  }
0x5b: {  	_ =	shalt  }
0x5c: {  	_ =	shalt  }
0x5d: {  	_ =	shalt  }
0x5e: {  	_ =	shalt  }
0x5f: {  	_ =	shalt  }
0x60: {  	_ =	shalt  }
0x61: {  	_ =	shalt  }
0x62: {  	_ =	shalt  }
0x63: {  	_ =	shalt  }
0x64: {  	_ =	shalt  }
0x65: {  	_ =	shalt  }
0x66: {  	_ =	shalt  }
0x67: {  	_ =	shalt  }
0x68: {  	_ =	shalt  }
0x69: {  	_ =	shalt  }
0x6a: {  	_ =	shalt  }
0x6b: {  	_ =	shalt  }
0x6c: {  	_ =	shalt  }
0x6d: {  	_ =	shalt  }
0x6e: {  	_ =	shalt  }
0x6f: {  	_ =	shalt  }
0x70: {  	_ =	shalt  }
0x71: {  	_ =	shalt  }
0x72: {  	_ =	shalt  }
0x73: {  	_ =	shalt  }
0x74: {  	_ =	shalt  }
0x75: {  	_ =	shalt  }
0x76: {  	_ =	shalt  }
0x77: {  	_ =	shalt  }
0x78: {  	_ =	shalt  }
0x79: {  	_ =	shalt  }
0x7a: {  	_ =	shalt  }
0x7b: {  	_ =	shalt  }
0x7c: {  	_ =	shalt  }
0x7d: {  	_ =	shalt  }
0x7e: {  	_ =	shalt  }
0x7f: {  	_ =	shalt  }
0x80: {  	_ =	shalt  }
0x81: {  	_ =	shalt  }
0x82: {  	_ =	shalt  }
0x83: {  	_ =	shalt  }
0x84: {  	_ =	shalt  }
0x85: {  	_ =	shalt  }
0x86: {  	_ =	shalt  }
0x87: {  	_ =	shalt  }
.Lfunc_end0:
.L_simem_size_0:
called_computation_lowered:
.L_overlay_start_0:
0x88: {  	s2 =	sld [smem:$0x3FD9]  }
0x89: {  	s3 =	sld [smem:$0x3FFE];
	_ =	sdelay $0x1  }
0x8a: {  	s1 =	srdreg.scid  }
0x8b: {  	s0 =	sand.u32 $0x1, s1  }
0x8c: {  	s17 =	sshll.u32 s0, $0xA;
	s2 =	sadd.s32 s3, s2  }
0x8d: {  	s2 =	sadd.s32 s2, s17  }
0x8e: {  	[smem:$0x3FC0] =	sst s2  }
0x8f: {  	_ = 	snop  }
0x90: {  	s2 =	sld [smem:$0x3FC9]  }
0x91: {  	s18 =	sld [smem:$0x3FD0];
	(tm) =	ssettm $0x1  }
0x92: {  	s4 =	sld [smem:$0x3FFB];
	_ =	sdelay $0x3  }
0x93: {  	_ =	strace s4  }
0x94: {  	s4 =	sld [smem:$0x3FFC];
	_ =	sdelay $0x3  }
0x95: {  	_ =	strace s4  }
0x96: {  	s4 =	sld [smem:$0x3FFD];
	_ =	sdelay $0x3  }
0x97: {  	_ =	strace s4  }
0x98: {  	_ =	strace $0x8FFFFFFF  }
0x99: {  	s19 =	sld [smem:$0x3FDB];
	_ =	sdelay $0x1  }
0x9a: {  	s5 =	simm.s32 $_scs_section_size  }
0x9b: {  	s6 =	simm.s32 $_size__tile_overlayer_lowered;
	s7 =	simm.s32 $_tile_overlayer_lowered  }
0x9c: {  	s22 =	simm.s32 $0x1BFF;
	s21 =	sshll.u32 s7, $0x1;
	s4 =	sadd.s32 s5, s19  }
0x9d: {  	s8 =	simm.s32 $0x0;
	s20 =	sshll.u32 s6, $0x1;
	s6 =	sadd.s32 s21, s4  }
0x9e: {  	[timem:s8], [sflag:s22] =	dma.local [hbm:s6], s20  }
0x9f: {  	_ =	swait.ge [sflag:s22], s20  }
0xa0: {  	s5 =	ssub.s32 $0x0, s20;
	[sflag:s22] =	ssyncset.done $0x0  }
0xa1: {  	[sflag:s22] =	ssyncadd.s32 s5;
	_ =	sdelay $0x1  }
0xa2: {  	s23 =	simm.s32 $0x1B8B  }
0xa3: {  	_ =	swait.ge [sflag:s23], $0x1  }
0xa4: {  	[sflag:s23] =	ssyncset.done $0x0  }
0xa5: {  	s25 =	simm.s32 $0x1B8E;
	s24 =	sld [smem:$0x3FFE];
	[sflag:s23] =	ssyncadd.s32 $0xFFFFFFFF  }
0xa6: {  	s26 =	simm.s32 $execute0_lowered;
	[smem:$0x3FD2] =	sst s25  }
0xa7: {  	s6 =	sshll.u32 s26, $0x1;
	_ =	strace $0x80000046;
	[dreg:$0x1] =	wrdreg $0xFFFFFFFF  }
0xa8: {  	s28 =	simm.s32 $_size_execute0_lowered;
	s4 =	sadd.s32 s4, s6;
	[dreg:$0x0] =	wrdreg $0x0  }
0xa9: {  	s6 =	sshll.u32 s28, $0x1;
	[dreg:$0x2] =	wrdreg s4  }
0xaa: {  	[dreg:$0x3] =	wrdreg s6  }
0xab: {  	[dreg:$0x4] =	wrdreg $0xC0  }
0xac: {  	_ =	task [dreg:s8], $0x5FFFF  }
0xad: {  	[dreg:$0x1] =	wrdreg $0xFFFFFFFF  }
0xae: {  	[dreg:$0x0] =	wrdreg $0x60  }
0xaf: {  	[dreg:$0x2] =	wrdreg s2  }
0xb0: {  	[dreg:$0x3] =	wrdreg s24  }
0xb1: {  	[dreg:$0x4] =	wrdreg s18  }
0xb2: {  	[dreg:$0x5] =	wrdreg $0xA8000  }
0xb3: {  	[dreg:$0x6] =	wrdreg $0x9  }
0xb4: {  	_ =	task.clear_ibuf [dreg:s8], $0x7FFFF;
	_ =	strace $0x90000046  }
0xb5: {  	s29 =	simm.s32 $0x9;
	_ =	strace $0x80000048  }
0xb6: {  	_ =	swait.ge [sflag:s29], $0x1  }
0xb7: {  	[sflag:s29] =	ssyncadd.s32 $0xFFFFFFFF  }
0xb8: {  	_ =	strace $0x90000048  }
0xb9: {  	_ =	sfence  }
0xba: {  	s30 =	sld [smem:$0x0];
	_ =	sdelay $0x2  }
0xbb: {  	s31 =	sshll.u32 s1, $0xD;
	s1 =	sshrl.u32 s1, $0x2  }
0xbc: {  	s3 =	sand.u32 $0x4000, s31;
	s1 =	sadd.s32 s1, s30  }
0xbd: {  	s0 =	sor.u32 s3, s0;
	s1 =	sshll.u32 s1, $0x11  }
0xbe: {  	s0 =	sor.u32 s1, s0  }
0xbf: {  	s0 =	sadd.s32 $0x8F2B, s0  }
0xc0: {  	[sflag:s0] =	ssyncadd.remote.s32 $0x1  }
0xc1: {  	_ =	sfence.sel $0xFFFF  }
0xc2: {  	[dreg:$0x0] =	wrdreg $0xFFFFFFFF;
	(pc) =	sbr.abs _section_cstart, $3  }
0xc3: {  	[dreg:$0x1] =	wrdreg $0xFFFFFFFF  }
0xc4: {  	_ =	task.clear_ibuf [dreg:s8], $0x2FFFF;
	_ =	strace $0x9FFFFFFF  }
0xc5: {  	(tm) =	ssettm $0x7FFFFFFF  }
tec
execute0_lowered:
.L_overlay_start_1:
0x0: {  	(tag) =	ssettag $0x1  }
0x1: {  	s1 =	rddreg [dreg:$0x0]  }
0x2: {  	s5 =	rddreg [dreg:$0x1]  }
0x3: {  	s11 =	rddreg [dreg:$0x2]  }
0x4: {  	s2 =	rddreg [dreg:$0x3];
	s4 =	simm.s32 $0x0  }
0x5: {  	s6 =	srdreg.scid;
	s3 =	stileid.u32;
	s19 =	simm.s32 $0x1400  }
0x6: {  	s20 =	simm.s32 $0x80;
	s21 =	simm.s32 $0x1480;
	s22 =	simm.s32 $0x6800  }
0x7: {  	s23 =	simm.s32 $0x1;
	s24 =	simm.s32 $0x3;
	s25 =	simm.s32 $0x2  }
0x8: {  	s28 =	simm.s32 $0x1300;
	s29 =	simm.s32 $0x1380;
	s26 =	smul.u32 $0x50000, s3  }
0x9: {  	[smem:$0x7FF] =	sst s4;
	s8 =	sand.u32 $0x1, s6;
	s9 =	smul.u32 $0x14000, s3  }
0xa: {  	s15 =	sadd.s32 $0x1C00, s5;
	s16 =	sadd.s32 $0xBC00, s5;
	s14 =	smul.u32 $0x2800, s3  }
0xb: {  	p0 =	seq.s32 s3, $0xF;
	s30 =	ssub.s32 $0x2, s8;
	s10 =	smul.u32 $0x138800, s8  }
0xc: {  	_ =	strace $0x80000047;
	s13 =	smul.u32 $0x28000, s8;
	s7 =	sshrl.u32 s30, $0x1  }
0xd: {  	s6 =	sshrl.u32 s26, $0x2;
	s26 =	simm.s32 $0x4;
	s12 =	ssub.s32 s30, s7  }
0xe: {  	s5 =	sadd.s32 s6, s2;
	s17 =	sadd.s32 s9, s10;
	s18 =	sshrl.u32 s10, $0x3  }
0xf: {  	s13 =	sadd.s32 s14, s13;
	s6 =	sadd.s32 $0x4000, s5;
	s7 =	sadd.s32 $0x8000, s5  }
0x10: {  	s8 =	sadd.s32 $0xC000, s5;
	s9 =	sadd.s32 $0x10000, s5;
	s17 =	sshrl.u32 s17, $0x3  }
0x11: {  	s12 =	smax.u32 s12, $0x1;
	s31 =	sshrl.u32 s13, $0x3;
	s10 =	sadd.s32 s11, s17  }
0x12: {  	s11 =	sadd.s32 s11, s18;
	s13 =	sadd.s32 s15, s31;
	s14 =	sadd.s32 s16, s31  }
0x13: {  	s17 =	sadd.s32 $0x280, s31;
	s18 =	simm.s32 $0x5;
	s11 =	sadd.s32 $0x25800, s11  }
0x14: {  	v0 =	vimm.f32 $0.0e+00;
	s15 =	sadd.s32 s15, s17;
	s16 =	sadd.s32 s16, s17;
	s17 =	simm.s32 $0x2800  }
.LBB2_1:
0x15: {  	s30 =	simm.s32 $0x0;
	s31 =	simm.s32 $0x200  }
.LBB2_2:
0x16: {  	p1 =	sne.s32 s31, $0xFE00;
	[tilespmem:s30+$0x2870] =	vst v0  }
0x17: {  	[tilespmem:s30+$0x2800] =	vst v0  }
0x18: {  	[tilespmem:s30+$0x2810] =	vst v0  }
.Ltmp0:
0x19: {  	[tilespmem:s30+$0x2820] =	vst v0;
	(pc) =	sbr.rel @p1 .LBB2_2-.Ltmp0, $4  }
0x1a: {  	[tilespmem:s30+$0x2830] =	vst v0  }
0x1b: {  	[tilespmem:s30+$0x2840] =	vst v0  }
0x1c: {  	[tilespmem:s30+$0x2850] =	vst v0  }
0x1d: {  	[tilespmem:s30+$0x2860] =	vst v0;
	s30 =	sshra.s32 s31, $0x2;
	s31 =	sadd.s32 $0x200, s31  }
0x1e: {  	[tilespmem:s30+$0x2870] =	vst v0  }
0x1f: {  	[tilespmem:s30+$0x2800] =	vst v0  }
0x20: {  	[tilespmem:s30+$0x2810] =	vst v0  }
0x21: {  	[tilespmem:s30+$0x2820] =	vst v0  }
0x22: {  	[tilespmem:s30+$0x2830] =	vst v0  }
0x23: {  	[tilespmem:s30+$0x2840] =	vst v0  }
0x24: {  	[tilespmem:s30+$0x2850] =	vst v0  }
0x25: {  	[tilespmem:s30+$0x2860] =	vst v0  }
0x26: {  	[spmem:s5] =	stream.linear.scatter [tilespmem:s17], [sflag:$0x5], $0x4000, $0x38;
	[tilespmem:$0x1E800] =	vst v63  }
0x27: {  	_ =	swait.ge [sflag:s18], $0x4000  }
0x28: {  	[sflag:s18] =	ssyncset.done $0x0  }
0x29: {  	[sflag:s18] =	ssyncadd.s32 $0xFFFFC000  }
0x2a: {  	[spmem:s6] =	stream.linear.scatter [tilespmem:s17], [sflag:$0x5], $0x4000, $0x38;
	[tilespmem:$0x1E800] =	vst v63  }
0x2b: {  	_ =	swait.ge [sflag:s18], $0x4000  }
0x2c: {  	[sflag:s18] =	ssyncset.done $0x0  }
0x2d: {  	[sflag:s18] =	ssyncadd.s32 $0xFFFFC000  }
0x2e: {  	[spmem:s7] =	stream.linear.scatter [tilespmem:s17], [sflag:$0x5], $0x4000, $0x38;
	[tilespmem:$0x1E800] =	vst v63  }
0x2f: {  	_ =	swait.ge [sflag:s18], $0x4000  }
0x30: {  	[sflag:s18] =	ssyncset.done $0x0  }
0x31: {  	[sflag:s18] =	ssyncadd.s32 $0xFFFFC000  }
0x32: {  	[spmem:s8] =	stream.linear.scatter [tilespmem:s17], [sflag:$0x5], $0x4000, $0x38;
	[tilespmem:$0x1E800] =	vst v63  }
0x33: {  	_ =	swait.ge [sflag:s18], $0x4000  }
0x34: {  	[sflag:s18] =	ssyncset.done $0x0  }
0x35: {  	[sflag:s18] =	ssyncadd.s32 $0xFFFFC000  }
0x36: {  	[spmem:s9] =	stream.linear.scatter [tilespmem:s17], [sflag:$0x5], $0x4000, $0x38;
	[tilespmem:$0x1E800] =	vst v63  }
0x37: {  	_ =	swait.ge [sflag:s18], $0x4000  }
0x38: {  	[sflag:s18] =	ssyncset.done $0x0  }
0x39: {  	[sflag:s18] =	ssyncadd.s32 $0xFFFFC000  }
0x3a: {  	s30 =	simm.s32 $0x0;
	[bflag:$0x0] =	sbarrier.arrive $0xFFFF  }
0x3b: {  	[tilespmem:s30], [sflag:$0x5] =	stream.linear.gather [hbm4b:s13+s30], $0x1400, $0x38;
	[tilespmem:$0x1E800] =	vst v63  }
0x3c: {  	_ =	swait.ge [sflag:s18], $0x1400  }
0x3d: {  	[sflag:s18] =	ssyncset.done $0x0  }
0x3e: {  	[sflag:s18] =	ssyncadd.s32 $0xFFFFEC00  }
0x3f: {  	[tilespmem:s19], [sflag:$0x5] =	stream.linear.gather [hbm4b:s14+s30], $0x1400, $0x38;
	[tilespmem:$0x1E800] =	vst v63  }
0x40: {  	_ =	swait.ge [sflag:s18], $0x1400  }
0x41: {  	[sflag:s18] =	ssyncset.done $0x0  }
0x42: {  	[sflag:s18] =	ssyncadd.s32 $0xFFFFEC00  }
0x43: {  	[tilespmem:s17], [sflag:$0x1] =	stream.indirect.gather [hbm4b:s1+s20], $0x80, s19, s20, $0xb8;
	[tilespmem:$0x1E800] =	vst v63  }
0x44: {  	_ = 	snop  }
0x45: {  	[tilespmem:s22], [sflag:$0x2] =	stream.indirect.gather [hbm4b:s1+s20], $0x80, s21, s20, $0xb8;
	[tilespmem:$0x1E800] =	vst v63  }
0x46: {  	_ =	swait.ge [sflag:s23], $0x4000  }
0x47: {  	[sflag:s23] =	ssyncset.done $0x0  }
0x48: {  	s30 =	simm.s32 $0x0;
	[sflag:s23] =	ssyncadd.s32 $0xFFFFC000  }
0x49: {  	[spmem:s2] =	stream.indirect.scatter.add.f32 [tilespmem:s17], [sflag:$0x3], $0x80, s30, s20, $0xb8;
	[tilespmem:$0x1E800] =	vst v63  }
0x4a: {  	_ =	swait.ge [sflag:s24], $0x4000  }
0x4b: {  	[sflag:s24] =	ssyncset.done $0x0  }
0x4c: {  	s30 =	simm.s32 $0x1500;
	[sflag:s24] =	ssyncadd.s32 $0xFFFFC000  }
0x4d: {  	[tilespmem:s17], [sflag:$0x1] =	stream.indirect.gather [hbm4b:s1+s20], $0x80, s30, s20, $0xb8;
	[tilespmem:$0x1E800] =	vst v63  }
0x4e: {  	_ =	swait.ge [sflag:s25], $0x4000  }
0x4f: {  	[sflag:s25] =	ssyncset.done $0x0  }
0x50: {  	s30 =	simm.s32 $0x80;
	[sflag:s25] =	ssyncadd.s32 $0xFFFFC000  }
0x51: {  	[spmem:s2] =	stream.indirect.scatter.add.f32 [tilespmem:s22], [sflag:$0x4], $0x80, s30, s20, $0xb8;
	[tilespmem:$0x1E800] =	vst v63  }
0x52: {  	_ =	swait.ge [sflag:s26], $0x4000  }
0x53: {  	[sflag:s26] =	ssyncset.done $0x0  }
0x54: {  	s31 =	simm.s32 $0x1580;
	s30 =	simm.s32 $0x400;
	[sflag:s26] =	ssyncadd.s32 $0xFFFFC000  }
.LBB2_4:
0x55: {  	[tilespmem:s22], [sflag:$0x2] =	stream.indirect.gather [hbm4b:s1+s20], $0x80, s31, s20, $0xb8;
	[tilespmem:$0x1E800] =	vst v63  }
0x56: {  	s31 =	smov.u32 s30  }
0x57: {  	p1 =	sne.s32 s30, $0x4800;
	s30 =	sadd.s32 $0x400, s30;
	_ =	swait.ge [sflag:s23], $0x4000  }
0x58: {  	[sflag:s23] =	ssyncset.done $0x0  }
0x59: {  	s31 =	sshra.s32 s31, $0x2;
	[sflag:s23] =	ssyncadd.s32 $0xFFFFC000  }
0x5a: {  	[spmem:s2] =	stream.indirect.scatter.add.f32 [tilespmem:s17], [sflag:$0x3], $0x80, s31, s20, $0xb8;
	[tilespmem:$0x1E800] =	vst v63  }
0x5b: {  	_ =	swait.ge [sflag:s24], $0x4000  }
0x5c: {  	[sflag:s24] =	ssyncset.done $0x0  }
0x5d: {  	s0 =	sadd.s32 $0x1500, s31;
	[sflag:s24] =	ssyncadd.s32 $0xFFFFC000  }
0x5e: {  	[tilespmem:s17], [sflag:$0x1] =	stream.indirect.gather [hbm4b:s1+s20], $0x80, s0, s20, $0xb8;
	[tilespmem:$0x1E800] =	vst v63  }
0x5f: {  	_ =	swait.ge [sflag:s25], $0x4000  }
0x60: {  	[sflag:s25] =	ssyncset.done $0x0  }
.Ltmp1:
0x61: {  	s0 =	sadd.s32 $0x80, s31;
	[sflag:s25] =	ssyncadd.s32 $0xFFFFC000;
	(pc) =	sbr.rel @p1 .LBB2_4-.Ltmp1, $4  }
0x62: {  	[spmem:s2] =	stream.indirect.scatter.add.f32 [tilespmem:s22], [sflag:$0x4], $0x80, s0, s20, $0xb8;
	[tilespmem:$0x1E800] =	vst v63  }
0x63: {  	_ =	swait.ge [sflag:s26], $0x4000  }
0x64: {  	[sflag:s26] =	ssyncset.done $0x0  }
0x65: {  	s31 =	sadd.s32 $0x1580, s31;
	[sflag:s26] =	ssyncadd.s32 $0xFFFFC000  }
0x66: {  	[tilespmem:s22], [sflag:$0x2] =	stream.indirect.gather [hbm4b:s1+s20], $0x80, s31, s20, $0xb8;
	[tilespmem:$0x1E800] =	vst v63  }
0x67: {  	_ =	swait.ge [sflag:s23], $0x4000  }
0x68: {  	[sflag:s23] =	ssyncset.done $0x0  }
0x69: {  	[sflag:s23] =	ssyncadd.s32 $0xFFFFC000  }
0x6a: {  	[spmem:s2] =	stream.indirect.scatter.add.f32 [tilespmem:s17], [sflag:$0x3], $0x80, s28, s20, $0xb8;
	[tilespmem:$0x1E800] =	vst v63  }
0x6b: {  	_ =	swait.ge [sflag:s24], $0x4000  }
0x6c: {  	[sflag:s24] =	ssyncset.done $0x0  }
0x6d: {  	[sflag:s24] =	ssyncadd.s32 $0xFFFFC000  }
0x6e: {  	_ =	swait.ge [sflag:s25], $0x4000  }
0x6f: {  	[sflag:s25] =	ssyncset.done $0x0  }
0x70: {  	[sflag:s25] =	ssyncadd.s32 $0xFFFFC000  }
0x71: {  	[spmem:s2] =	stream.indirect.scatter.add.f32 [tilespmem:s22], [sflag:$0x4], $0x80, s29, s20, $0xb8;
	[tilespmem:$0x1E800] =	vst v63  }
0x72: {  	_ =	swait.ge [sflag:s26], $0x4000  }
0x73: {  	[sflag:s26] =	ssyncset.done $0x0  }
0x74: {  	s0 =	simm.s32 $0x0;
	[sflag:s26] =	ssyncadd.s32 $0xFFFFC000  }
0x75: {  	[tilespmem:s0], [sflag:$0x5] =	stream.linear.gather [hbm4b:s15+s0], $0x1400, $0x38;
	[tilespmem:$0x1E800] =	vst v63  }
0x76: {  	_ =	swait.ge [sflag:s18], $0x1400  }
0x77: {  	[sflag:s18] =	ssyncset.done $0x0  }
0x78: {  	[sflag:s18] =	ssyncadd.s32 $0xFFFFEC00  }
0x79: {  	[tilespmem:s19], [sflag:$0x5] =	stream.linear.gather [hbm4b:s16+s0], $0x1400, $0x38;
	[tilespmem:$0x1E800] =	vst v63  }
0x7a: {  	_ =	swait.ge [sflag:s18], $0x1400  }
0x7b: {  	[sflag:s18] =	ssyncset.done $0x0  }
0x7c: {  	[sflag:s18] =	ssyncadd.s32 $0xFFFFEC00  }
0x7d: {  	[tilespmem:s17], [sflag:$0x1] =	stream.indirect.gather [hbm4b:s1+s20], $0x80, s19, s20, $0xb8;
	[tilespmem:$0x1E800] =	vst v63  }
0x7e: {  	_ = 	snop  }
0x7f: {  	[tilespmem:s22], [sflag:$0x2] =	stream.indirect.gather [hbm4b:s1+s20], $0x80, s21, s20, $0xb8;
	[tilespmem:$0x1E800] =	vst v63  }
0x80: {  	_ =	swait.ge [sflag:s23], $0x4000  }
0x81: {  	[sflag:s23] =	ssyncset.done $0x0  }
0x82: {  	s0 =	simm.s32 $0x0;
	[sflag:s23] =	ssyncadd.s32 $0xFFFFC000  }
0x83: {  	[spmem:s2] =	stream.indirect.scatter.add.f32 [tilespmem:s17], [sflag:$0x3], $0x80, s0, s20, $0xb8;
	[tilespmem:$0x1E800] =	vst v63  }
0x84: {  	_ =	swait.ge [sflag:s24], $0x4000  }
0x85: {  	[sflag:s24] =	ssyncset.done $0x0  }
0x86: {  	s0 =	simm.s32 $0x1500;
	[sflag:s24] =	ssyncadd.s32 $0xFFFFC000  }
0x87: {  	[tilespmem:s17], [sflag:$0x1] =	stream.indirect.gather [hbm4b:s1+s20], $0x80, s0, s20, $0xb8;
	[tilespmem:$0x1E800] =	vst v63  }
0x88: {  	_ =	swait.ge [sflag:s25], $0x4000  }
0x89: {  	[sflag:s25] =	ssyncset.done $0x0  }
0x8a: {  	s0 =	simm.s32 $0x80;
	[sflag:s25] =	ssyncadd.s32 $0xFFFFC000  }
0x8b: {  	[spmem:s2] =	stream.indirect.scatter.add.f32 [tilespmem:s22], [sflag:$0x4], $0x80, s0, s20, $0xb8;
	[tilespmem:$0x1E800] =	vst v63  }
0x8c: {  	_ =	swait.ge [sflag:s26], $0x4000  }
0x8d: {  	[sflag:s26] =	ssyncset.done $0x0  }
0x8e: {  	s30 =	simm.s32 $0x400;
	s31 =	simm.s32 $0x1580;
	[sflag:s26] =	ssyncadd.s32 $0xFFFFC000  }
.LBB2_6:
0x8f: {  	[tilespmem:s22], [sflag:$0x2] =	stream.indirect.gather [hbm4b:s1+s20], $0x80, s31, s20, $0xb8;
	[tilespmem:$0x1E800] =	vst v63  }
0x90: {  	s0 =	smov.u32 s30  }
0x91: {  	p1 =	sne.s32 s30, $0x4800;
	s30 =	sadd.s32 $0x400, s30;
	_ =	swait.ge [sflag:s23], $0x4000  }
0x92: {  	[sflag:s23] =	ssyncset.done $0x0  }
0x93: {  	s0 =	sshra.s32 s0, $0x2;
	[sflag:s23] =	ssyncadd.s32 $0xFFFFC000  }
0x94: {  	[spmem:s2] =	stream.indirect.scatter.add.f32 [tilespmem:s17], [sflag:$0x3], $0x80, s0, s20, $0xb8;
	[tilespmem:$0x1E800] =	vst v63  }
0x95: {  	_ =	swait.ge [sflag:s24], $0x4000  }
0x96: {  	[sflag:s24] =	ssyncset.done $0x0  }
0x97: {  	s31 =	sadd.s32 $0x1500, s0;
	[sflag:s24] =	ssyncadd.s32 $0xFFFFC000  }
0x98: {  	[tilespmem:s17], [sflag:$0x1] =	stream.indirect.gather [hbm4b:s1+s20], $0x80, s31, s20, $0xb8;
	[tilespmem:$0x1E800] =	vst v63  }
0x99: {  	_ =	swait.ge [sflag:s25], $0x4000  }
0x9a: {  	[sflag:s25] =	ssyncset.done $0x0  }
.Ltmp2:
0x9b: {  	s31 =	sadd.s32 $0x80, s0;
	[sflag:s25] =	ssyncadd.s32 $0xFFFFC000;
	(pc) =	sbr.rel @p1 .LBB2_6-.Ltmp2, $4  }
0x9c: {  	[spmem:s2] =	stream.indirect.scatter.add.f32 [tilespmem:s22], [sflag:$0x4], $0x80, s31, s20, $0xb8;
	[tilespmem:$0x1E800] =	vst v63  }
0x9d: {  	_ =	swait.ge [sflag:s26], $0x4000  }
0x9e: {  	[sflag:s26] =	ssyncset.done $0x0  }
0x9f: {  	s31 =	sadd.s32 $0x1580, s0;
	[sflag:s26] =	ssyncadd.s32 $0xFFFFC000  }
0xa0: {  	[tilespmem:s22], [sflag:$0x2] =	stream.indirect.gather [hbm4b:s1+s20], $0x80, s31, s20, $0xb8;
	[tilespmem:$0x1E800] =	vst v63  }
0xa1: {  	_ =	swait.ge [sflag:s23], $0x4000  }
0xa2: {  	[sflag:s23] =	ssyncset.done $0x0  }
0xa3: {  	[sflag:s23] =	ssyncadd.s32 $0xFFFFC000  }
0xa4: {  	[spmem:s2] =	stream.indirect.scatter.add.f32 [tilespmem:s17], [sflag:$0x3], $0x80, s28, s20, $0xb8;
	[tilespmem:$0x1E800] =	vst v63  }
0xa5: {  	_ =	swait.ge [sflag:s24], $0x4000  }
0xa6: {  	[sflag:s24] =	ssyncset.done $0x0  }
0xa7: {  	[sflag:s24] =	ssyncadd.s32 $0xFFFFC000  }
0xa8: {  	_ =	swait.ge [sflag:s25], $0x4000  }
0xa9: {  	[sflag:s25] =	ssyncset.done $0x0  }
0xaa: {  	[sflag:s25] =	ssyncadd.s32 $0xFFFFC000  }
0xab: {  	[spmem:s2] =	stream.indirect.scatter.add.f32 [tilespmem:s22], [sflag:$0x4], $0x80, s29, s20, $0xb8;
	[tilespmem:$0x1E800] =	vst v63  }
0xac: {  	_ =	swait.ge [sflag:s26], $0x4000  }
0xad: {  	[sflag:s26] =	ssyncset.done $0x0  }
0xae: {  	[sflag:s26] =	ssyncadd.s32 $0xFFFFC000  }
0xaf: {  	s0 =	sshrl.u32 @p0 s5, $0x3;
	s30 =	simm.s32 @p0 $0x1FC5;
	[bflag:$0x0] =	sbarrier.arrive $0xFFFF  }
0xb0: {  	[hbm:s11], [sflag:s30] =	dma.local @p0 [spmem:s0], $0x1900  }
0xb1: {  	s0 =	simm.s32 @p0 $0x5  }
0xb2: {  	s4 =	sadd.s32 $0x1, s4;
	_ =	swait.ge @p0 [sflag:s0], $0x1900  }
0xb3: {  	p1 =	sne.s32 s4, s12;
	s30 =	sshll.u32 @!p0 s3, $0x6;
	[sflag:s0] =	ssyncset.done @p0 $0x0  }
0xb4: {  	[sflag:s0] =	ssyncadd.s32 @p0 $0xFFFFE700;
	s0 =	sor.u32 @!p0 $0x1C05, s30;
	s30 =	sshrl.u32 @!p0 s5, $0x3  }
0xb5: {  	[hbm:s10], [sflag:s0] =	dma.local @!p0 [spmem:s30], $0x2800  }
.Ltmp3:
0xb6: {  	_ = 	snop;
	(pc) =	sbr.rel @p1 .LBB2_1-.Ltmp3, $4  }
0xb7: {  	s0 =	simm.s32 @!p0 $0x5  }
0xb8: {  	_ =	swait.ge @!p0 [sflag:s0], $0x2800  }
0xb9: {  	[sflag:s0] =	ssyncset.done @!p0 $0x0  }
0xba: {  	[sflag:s0] =	ssyncadd.s32 @!p0 $0xFFFFD800  }
0xbb: {  	_ =	sfence.sel $0x180000  }
0xbc: {  	[bflag:$0x0] =	sbarrier.arrive $0xFFFF  }
0xbd: {  	_ =	strace $0x90000047  }
0xbe: {  	[bflag:$0x2] =	sbarrier.arrive $0xFFFF  }
0xbf: {  	p0 =	sne.s32 s3, $0x0;
	s0 =	rddreg [dreg:$0x4]  }
0xc0: {  	s0 =	sadd.s32 @!p0 $0x100000, s0  }
0xc1: {  	[sflag:s0] =	ssyncadd.tile.s32 @!p0 $0x1;
	_ =	shalt  }
.Lfunc_end2:
_tile_overlayer_lowered:
.L_overlay_start_2:
0xc2: {  	(tag) =	ssettag $0x2  }
0xc3: {  	s0 =	rddreg [dreg:$0x0];
	s2 =	stileid.u32  }
0xc4: {  	s1 =	rddreg [dreg:$0x1];
	p0 =	sne.s32 s2, $0x0  }
0xc5: {  	s3 =	rddreg [dreg:$0x2];
	[bflag:$0x3] =	sbarrier.arrive $0xFFFF;
	s2 =	simm.s32 @!p0 $0x1C05  }
0xc6: {  	[timem:s3], [sflag:s2] =	dma.local @!p0 [hbm:s0], s1  }
0xc7: {  	s0 =	simm.s32 @!p0 $0x5  }
0xc8: {  	_ =	swait.ge @!p0 [sflag:s0], s1  }
0xc9: {  	s1 =	ssub.s32 @!p0 $0x0, s1;
	[sflag:s0] =	ssyncset.done @!p0 $0x0  }
0xca: {  	[sflag:s0] =	ssyncadd.s32 @!p0 s1  }
0xcb: {  	[bflag:$0x3] =	sbarrier.arrive $0xFFFF  }
0xcc: {  	_ =	shalt  }

</sc_bundles>
